<compile_context>
chip_gen: v7x
topology: tpu7x:2x2x1
jax: 0.10.2.dev20260603
libtpu: 0.0.44.dev20260713+nightly
codegen_flags: <defaults>
</compile_context>

<pallas_src>
import functools

import jax
import jax.numpy as jnp
from jax import lax
from jax.experimental import pallas as pl
from jax.experimental.pallas import tpu as pltpu
from jax.experimental.pallas import tpu_sc as plsc

N = 10000
E = 160000
D = 256

NC = 2
NS = 16
NW = NC * NS

EPW = E // NW
GCH = 40
GNCH = EPW // GCH

COLS = D // NC
EPT = E // NS
SCH = 80
SNCH = EPT // SCH
NP = 10240
RPT = NP // NS
RPT_LAST = N - (NS - 1) * RPT

_mesh = plsc.VectorSubcoreMesh(
    core_axis_name="c", subcore_axis_name="s", num_cores=NC, num_subcores=NS)


DP = D // 2


@functools.partial(
    pl.kernel,
    out_type=[jax.ShapeDtypeStruct((E, DP), jnp.float32),
              jax.ShapeDtypeStruct((E, DP), jnp.float32)],
    mesh=_mesh,
    scratch_types=[
        pltpu.VMEM((2, GCH), jnp.int32),
        pltpu.VMEM((2, GCH), jnp.int32),
        pltpu.VMEM((2, GCH, DP), jnp.float32),
        pltpu.VMEM((2, GCH, DP), jnp.float32),
        pltpu.SemaphoreType.DMA((2,)),
        pltpu.SemaphoreType.DMA((2,)),
        pltpu.SemaphoreType.DMA((2,)),
        pltpu.SemaphoreType.DMA((2,)),
    ],
)
def _sc_gather(nodes_hbm, senders_hbm, receivers_hbm, sf_hbm, rf_hbm,
               sidx_v, ridx_v, srows_v, rrows_v, gs, gr, ws, wr):
    wid = lax.axis_index("s") * NC + lax.axis_index("c")
    base = wid * EPW

    def load_idx(j, slot):
        off = base + j * GCH
        pltpu.sync_copy(senders_hbm.at[pl.ds(off, GCH)], sidx_v.at[slot])
        pltpu.sync_copy(receivers_hbm.at[pl.ds(off, GCH)], ridx_v.at[slot])

    def start_gather(slot):
        pltpu.async_copy(nodes_hbm.at[sidx_v.at[slot]], srows_v.at[slot],
                         gs.at[slot])
        pltpu.async_copy(nodes_hbm.at[ridx_v.at[slot]], rrows_v.at[slot],
                         gr.at[slot])

    def wait_gather(slot):
        pltpu.make_async_copy(nodes_hbm.at[sidx_v.at[slot]], srows_v.at[slot],
                              gs.at[slot]).wait()
        pltpu.make_async_copy(nodes_hbm.at[ridx_v.at[slot]], rrows_v.at[slot],
                              gr.at[slot]).wait()

    def start_write(j, slot):
        off = base + j * GCH
        pltpu.async_copy(srows_v.at[slot], sf_hbm.at[pl.ds(off, GCH)],
                         ws.at[slot])
        pltpu.async_copy(rrows_v.at[slot], rf_hbm.at[pl.ds(off, GCH)],
                         wr.at[slot])

    def wait_write(j, slot):
        off = base + j * GCH
        pltpu.make_async_copy(srows_v.at[slot], sf_hbm.at[pl.ds(off, GCH)],
                              ws.at[slot]).wait()
        pltpu.make_async_copy(rrows_v.at[slot], rf_hbm.at[pl.ds(off, GCH)],
                              wr.at[slot]).wait()

    load_idx(0, 0)
    start_gather(0)
    load_idx(1, 1)
    start_gather(1)
    wait_gather(0)
    start_write(0, 0)

    def body(j, carry):
        slot = lax.rem(j, 2)
        other = 1 - slot
        wait_write(j - 2, slot)
        load_idx(j, slot)
        start_gather(slot)
        wait_gather(other)
        start_write(j - 1, other)
        return carry

    lax.fori_loop(2, GNCH, body, 0)
    last = (GNCH - 1) % 2
    wait_gather(last)
    start_write(GNCH - 1, last)
    wait_write(GNCH - 2, 1 - last)
    wait_write(GNCH - 1, last)


@functools.partial(
    pl.kernel,
    out_type=jax.ShapeDtypeStruct((N, D), jnp.float32),
    mesh=_mesh,
    scratch_types=[
        pltpu.VMEM((2, SCH), jnp.int32),
        pltpu.VMEM((2, SCH, COLS), jnp.float32),
        pltpu.VMEM_SHARED((NP, COLS), jnp.float32),
        pltpu.SemaphoreType.DMA((2,)),
        pltpu.SemaphoreType.DMA((2,)),
    ],
)
def _sc_scatter(new_edge_hbm, receivers_hbm, zeros_hbm, agg_hbm,
                idx_v, rows_v, acc_sh, ls, as_):
    sid = lax.axis_index("s")
    cid = lax.axis_index("c")
    col0 = cid * COLS
    row0 = sid * RPT
    ebase = sid * EPT
    pltpu.sync_copy(zeros_hbm, acc_sh.at[pl.ds(row0, RPT)])
    plsc.subcore_barrier()

    def load(j, slot):
        off = ebase + j * SCH
        pltpu.sync_copy(receivers_hbm.at[pl.ds(off, SCH)], idx_v.at[slot])
        pltpu.async_copy(new_edge_hbm.at[pl.ds(off, SCH), pl.ds(col0, COLS)],
                         rows_v.at[slot], ls.at[slot])

    def wait_load(j, slot):
        off = ebase + j * SCH
        pltpu.make_async_copy(
            new_edge_hbm.at[pl.ds(off, SCH), pl.ds(col0, COLS)],
            rows_v.at[slot], ls.at[slot]).wait()

    def start_add(slot):
        pltpu.async_copy(rows_v.at[slot], acc_sh.at[idx_v.at[slot]],
                         as_.at[slot], add=True)

    def wait_add(slot):
        pltpu.make_async_copy(rows_v.at[slot], acc_sh.at[idx_v.at[slot]],
                              as_.at[slot]).wait()

    load(0, 0)
    load(1, 1)
    wait_load(0, 0)
    start_add(0)

    def body(j, carry):
        slot = lax.rem(j, 2)
        other = 1 - slot
        wait_add(slot)
        load(j, slot)
        wait_load(j - 1, other)
        start_add(other)
        return carry

    lax.fori_loop(2, SNCH, body, 0)
    last = (SNCH - 1) % 2
    wait_add(1 - last)
    wait_load(SNCH - 1, last)
    start_add(last)
    wait_add(last)
    plsc.subcore_barrier()

    @pl.when(sid < NS - 1)
    def _store_full():
        pltpu.sync_copy(acc_sh.at[pl.ds(row0, RPT)],
                        agg_hbm.at[pl.ds(row0, RPT), pl.ds(col0, COLS)])

    @pl.when(sid == NS - 1)
    def _store_last():
        pltpu.sync_copy(acc_sh.at[pl.ds((NS - 1) * RPT, RPT_LAST)],
                        agg_hbm.at[pl.ds((NS - 1) * RPT, RPT_LAST),
                                   pl.ds(col0, COLS)])


BE = 1600
BN = 1000


def _unpack_bf16(packed_f32):
    pi = lax.bitcast_convert_type(packed_f32, jnp.int32)
    lo = lax.bitcast_convert_type(pi << 16, jnp.float32)
    hi = lax.bitcast_convert_type(pi & jnp.int32(-65536), jnp.float32)
    return lo.astype(jnp.bfloat16), hi.astype(jnp.bfloat16)


def _edge_mlp_body(sfp, rfp, ef, W1cat, b1, W2, b2, W3, b3, g, beta, ne, oe):
    bf16 = jnp.bfloat16
    f32 = jnp.float32
    se, so = _unpack_bf16(sfp[...])
    re_, ro = _unpack_bf16(rfp[...])
    xin = jnp.concatenate([se, so, re_, ro, ef[...].astype(bf16)], axis=-1)
    x = jnp.dot(xin, W1cat[...], preferred_element_type=f32)
    h = jnp.maximum(x + b1[...], 0.0).astype(bf16)
    h = jnp.maximum(
        jnp.dot(h, W2[...], preferred_element_type=f32) + b2[...],
        0.0).astype(bf16)
    h = jnp.dot(h, W3[...], preferred_element_type=f32) + b3[...]
    mu = jnp.mean(h, axis=-1, keepdims=True)
    c = h - mu
    var = jnp.mean(c * c, axis=-1, keepdims=True)
    y = c * lax.rsqrt(var + 1e-5) * g[...] + beta[...]
    ne[...] = y
    oe[...] = y + ef[...]


def _node_mlp_body(nf, agg, W1, b1, W2, b2, W3, b3, g, beta, on):
    x = jnp.dot(nf[...], W1[0:D, :], preferred_element_type=jnp.float32)
    x = x + jnp.dot(agg[...], W1[D:2 * D, :], preferred_element_type=jnp.float32)
    h = jnp.maximum(x + b1[...], 0.0)
    h = jnp.maximum(
        jnp.dot(h, W2[...], preferred_element_type=jnp.float32) + b2[...], 0.0)
    h = jnp.dot(h, W3[...], preferred_element_type=jnp.float32) + b3[...]
    mu = jnp.mean(h, axis=-1, keepdims=True)
    c = h - mu
    var = jnp.mean(c * c, axis=-1, keepdims=True)
    y = c * lax.rsqrt(var + 1e-5) * g[...] + beta[...]
    on[...] = y + nf[...]


def _row_spec(b):
    return pl.BlockSpec((b, D), lambda i: (i, 0))


def _full_spec(r):
    return pl.BlockSpec((r, D), lambda i: (0, 0))


_edge_call = pl.pallas_call(
    _edge_mlp_body,
    grid=(E // BE,),
    in_specs=[
        pl.BlockSpec((BE, DP), lambda i: (i, 0)),
        pl.BlockSpec((BE, DP), lambda i: (i, 0)),
        _row_spec(BE),
        _full_spec(3 * D), _full_spec(1),
        _full_spec(D), _full_spec(1),
        _full_spec(D), _full_spec(1),
        _full_spec(1), _full_spec(1),
    ],
    out_specs=[_row_spec(BE)] * 2,
    out_shape=[jax.ShapeDtypeStruct((E, D), jnp.float32),
               jax.ShapeDtypeStruct((E, D), jnp.float32)],
)

_node_call = pl.pallas_call(
    _node_mlp_body,
    grid=(N // BN,),
    in_specs=[_row_spec(BN)] * 2 + [
        _full_spec(2 * D), _full_spec(1),
        _full_spec(D), _full_spec(1),
        _full_spec(D), _full_spec(1),
        _full_spec(1), _full_spec(1),
    ],
    out_specs=_row_spec(BN),
    out_shape=jax.ShapeDtypeStruct((N, D), jnp.float32),
)


def kernel(node_features, edge_features, senders, receivers,
           eW1, eb1, eW2, eb2, eW3, eb3, eg, ebeta,
           nW1, nb1, nW2, nb2, nW3, nb3, ng, nbeta):
    r1 = lambda v: v.reshape(1, D)
    bf16 = jnp.bfloat16
    ni = lax.bitcast_convert_type(node_features, jnp.int32)
    rnd = lambda x: x + jnp.int32(0x7FFF) + ((x >> 16) & jnp.int32(1))
    lo = (rnd(ni[:, :DP]) >> 16) & jnp.int32(0xFFFF)
    hi = rnd(ni[:, DP:]) & jnp.int32(-65536)
    node_p = lax.bitcast_convert_type(lo | hi, jnp.float32)
    sfp, rfp = _sc_gather(node_p, senders, receivers)
    new_edge, out_edges = _edge_call(
        sfp, rfp, edge_features,
        eW1.astype(bf16), r1(eb1), eW2.astype(bf16), r1(eb2),
        eW3.astype(bf16), r1(eb3), r1(eg), r1(ebeta))
    zeros = jnp.zeros((RPT, COLS), jnp.float32)
    agg = _sc_scatter(new_edge, receivers, zeros)
    out_nodes = _node_call(
        node_features, agg,
        nW1, r1(nb1), nW2, r1(nb2), nW3, r1(nb3), r1(ng), r1(nbeta))
    return (out_nodes, out_edges)

# --- scband reference (transcript-rebuilt; emitter-appended) ---
"""Pipeline reference for scband-graph-net-block-44581760533108 (READ-ONLY COPY).

The authoritative reference and input builder live on the scoring server;
editing this copy changes nothing except your own understanding.
"""

import jax, jax.numpy as jnp
import numpy as np

N = 10000
E = 160000
D = 256
H = 256


def _mlp(x, W1, b1, W2, b2, W3, b3, gamma, beta):
    # MeshGraphNets-style MLP: 2 hidden ReLU layers + linear out + LayerNorm
    h = jax.nn.relu(x @ W1 + b1)
    h = jax.nn.relu(h @ W2 + b2)
    h = h @ W3 + b3
    mu = jnp.mean(h, axis=-1, keepdims=True)
    var = jnp.var(h, axis=-1, keepdims=True)
    return (h - mu) / jnp.sqrt(var + 1e-5) * gamma + beta


def _init_lin(key, fan_in, fan_out):
    return jax.random.normal(key, (fan_in, fan_out), dtype=jnp.float32) * (1.0 / np.sqrt(fan_in))


def setup_inputs(seed: int = 0) -> dict:
    key = jax.random.key(seed)
    ks = jax.random.split(key, 12)
    node_features = jax.random.normal(ks[0], (N, D), dtype=jnp.float32)
    edge_features = jax.random.normal(ks[1], (E, D), dtype=jnp.float32)
    senders = jax.random.randint(ks[2], (E,), 0, N, dtype=jnp.int32)
    receivers = jax.random.randint(ks[3], (E,), 0, N, dtype=jnp.int32)
    # edge model: input = sender || receiver || edge_feat = 3*D
    eW1 = _init_lin(ks[4], 3 * D, H); eb1 = jnp.zeros((H,), jnp.float32)
    eW2 = _init_lin(ks[5], H, H);     eb2 = jnp.zeros((H,), jnp.float32)
    eW3 = _init_lin(ks[6], H, D);     eb3 = jnp.zeros((D,), jnp.float32)
    eg = jnp.ones((D,), jnp.float32); ebeta = jnp.zeros((D,), jnp.float32)
    # node model: input = node_feat || aggregated_edge = 2*D
    nW1 = _init_lin(ks[7], 2 * D, H); nb1 = jnp.zeros((H,), jnp.float32)
    nW2 = _init_lin(ks[8], H, H);     nb2 = jnp.zeros((H,), jnp.float32)
    nW3 = _init_lin(ks[9], H, D);     nb3 = jnp.zeros((D,), jnp.float32)
    ng = jnp.ones((D,), jnp.float32); nbeta = jnp.zeros((D,), jnp.float32)
    return {
        'node_features': node_features, 'edge_features': edge_features,
        'senders': senders, 'receivers': receivers,
        'eW1': eW1, 'eb1': eb1, 'eW2': eW2, 'eb2': eb2, 'eW3': eW3, 'eb3': eb3,
        'eg': eg, 'ebeta': ebeta,
        'nW1': nW1, 'nb1': nb1, 'nW2': nW2, 'nb2': nb2, 'nW3': nW3, 'nb3': nb3,
        'ng': ng, 'nbeta': nbeta,
    }


def reference(node_features, edge_features, senders, receivers,
              eW1, eb1, eW2, eb2, eW3, eb3, eg, ebeta,
              nW1, nb1, nW2, nb2, nW3, nb3, ng, nbeta):
    # --- update edge features ---
    sender_features = jnp.take(node_features, senders, axis=0)
    receiver_features = jnp.take(node_features, receivers, axis=0)
    edge_in = jnp.concatenate([sender_features, receiver_features, edge_features], axis=-1)
    new_edge = _mlp(edge_in, eW1, eb1, eW2, eb2, eW3, eb3, eg, ebeta)
    # --- update node features: unsorted_segment_sum over receivers ('add' aggregator) ---
    agg = jax.ops.segment_sum(new_edge, receivers, num_segments=N)
    node_in = jnp.concatenate([node_features, agg], axis=-1)
    new_node = _mlp(node_in, nW1, nb1, nW2, nb2, nW3, nb3, ng, nbeta)
    # --- residual connections ---
    out_nodes = new_node + node_features
    out_edges = new_edge + edge_features
    return (out_nodes, out_edges)

if __name__ == "__main__":
    import jax
    _d = setup_inputs()
    print(jax.jit(kernel)(*tuple(_d.values())))

</pallas_src>

<mosaic_0001>
#map = affine_map<(d0, d1) -> (0, 0)>
#map1 = affine_map<(d0, d1) -> (0)>
module attributes {stable_mosaic.version = 14 : i64} {
  func.func @_sc_scatter(%arg0: i32, %arg1: i32, %arg2: memref<160000x256xf32, #tpu.memory_space<hbm>>, %arg3: memref<160000xi32, #tpu.memory_space<hbm>>, %arg4: memref<640x128xf32, #tpu.memory_space<hbm>>, %arg5: memref<10000x256xf32, #tpu.memory_space<hbm>>, %arg6: memref<2x80xi32, #tpu.memory_space<vmem>>, %arg7: memref<2x80x128xf32, #tpu.memory_space<vmem>>, %arg8: memref<10240x128xf32, #tpu.memory_space<vmem_shared>>, %arg9: memref<2x!tpu.dma_semaphore, #tpu.memory_space<semaphore_mem>>, %arg10: memref<2x!tpu.dma_semaphore, #tpu.memory_space<semaphore_mem>>) attributes {dimension_semantics = [#tpu.dimension_semantics<core_parallel>, #tpu.dimension_semantics<subcore_parallel>], iteration_bounds = array<i64: 2, 16>, scalar_prefetch = 0 : i64, scratch_operands = 5 : i64, tpu.core_type = #tpu.core_type<sc_vector_subcore>, window_params = [{transform_indices = #map}, {transform_indices = #map1}, {transform_indices = #map}, {transform_indices = #map}]} {
    %mul3A = arith.constant 128 : i32
    %mul3A_0 = arith.muli %arg0, %mul3A : i32
    %mul3A_1 = arith.constant 640 : i32
    %mul3A_2 = arith.muli %arg1, %mul3A_1 : i32
    %mul3A_3 = arith.constant 10000 : i32
    %mul3A_4 = arith.muli %arg1, %mul3A_3 : i32
    "tpu.region"() ({
      %run_scoped3A_139 = tpu.sem_alloc : memref<!tpu.dma_semaphore, #tpu.memory_space<semaphore_mem>>
      %dma_start3A_140 = arith.constant 0 : i32
      %dma_start3A_141 = tpu.memref_slice %arg8[%mul3A_2, %dma_start3A_140] : memref<10240x128xf32, #tpu.memory_space<vmem_shared>> -> memref<640x128xf32, #tpu.memory_space<vmem_shared>>
      tpu.enqueue_dma source(%arg4 : memref<640x128xf32, #tpu.memory_space<hbm>>) target(%dma_start3A_141 : memref<640x128xf32, #tpu.memory_space<vmem_shared>>) target_semaphore(%run_scoped3A_139 : memref<!tpu.dma_semaphore, #tpu.memory_space<semaphore_mem>>)
      %dma_wait3A_142 = arith.constant 0 : i32
      %dma_wait3A_143 = tpu.memref_slice %arg8[%mul3A_2, %dma_wait3A_142] : memref<10240x128xf32, #tpu.memory_space<vmem_shared>> -> memref<640x128xf32, #tpu.memory_space<vmem_shared>>
      tpu.wait_dma2 semaphore(%run_scoped3A_139 : memref<!tpu.dma_semaphore, #tpu.memory_space<semaphore_mem>>) src(%arg4 : memref<640x128xf32, #tpu.memory_space<hbm>>) dst(%dma_wait3A_143 : memref<640x128xf32, #tpu.memory_space<vmem_shared>>)
      tpu.yield
    }) : () -> ()
    %barrier3A = arith.constant 0 : index
    tpu.barrier barrier_id(%barrier3A)
    %add3A = arith.constant 0 : i32
    %add3A_5 = arith.addi %mul3A_4, %add3A : i32
    %run_scoped3A = arith.constant 0 : i32
    "tpu.region"() ({
      %run_scoped3A_139 = tpu.sem_alloc : memref<!tpu.dma_semaphore, #tpu.memory_space<semaphore_mem>>
      %dma_start3A_140 = arith.constant 0 : i32
      %dma_start3A_141 = tpu.memref_slice %arg6[%run_scoped3A, %dma_start3A_140] : memref<2x80xi32, #tpu.memory_space<vmem>> -> memref<1x80xi32, #tpu.memory_space<vmem>>
      %dma_start3A_142 = tpu.memref_squeeze %dma_start3A_141 : memref<1x80xi32, #tpu.memory_space<vmem>> -> memref<80xi32, #tpu.memory_space<vmem>>
      %dma_start3A_143 = tpu.memref_slice %arg3[%add3A_5] : memref<160000xi32, #tpu.memory_space<hbm>> -> memref<80xi32, #tpu.memory_space<hbm>>
      %dma_start3A_144 = arith.constant 0 : i32
      %dma_start3A_145 = tpu.memref_slice %arg6[%run_scoped3A, %dma_start3A_144] : memref<2x80xi32, #tpu.memory_space<vmem>> -> memref<1x80xi32, #tpu.memory_space<vmem>>
      %dma_start3A_146 = tpu.memref_squeeze %dma_start3A_145 : memref<1x80xi32, #tpu.memory_space<vmem>> -> memref<80xi32, #tpu.memory_space<vmem>>
      %dma_start3A_147 = tpu.memref_slice %arg3[%add3A_5] : memref<160000xi32, #tpu.memory_space<hbm>> -> memref<80xi32, #tpu.memory_space<hbm>>
      tpu.enqueue_dma source(%dma_start3A_147 : memref<80xi32, #tpu.memory_space<hbm>>) target(%dma_start3A_146 : memref<80xi32, #tpu.memory_space<vmem>>) target_semaphore(%run_scoped3A_139 : memref<!tpu.dma_semaphore, #tpu.memory_space<semaphore_mem>>)
      %dma_wait3A_148 = arith.constant 0 : i32
      %dma_wait3A_149 = tpu.memref_slice %arg6[%run_scoped3A, %dma_wait3A_148] : memref<2x80xi32, #tpu.memory_space<vmem>> -> memref<1x80xi32, #tpu.memory_space<vmem>>
      %dma_wait3A_150 = tpu.memref_squeeze %dma_wait3A_149 : memref<1x80xi32, #tpu.memory_space<vmem>> -> memref<80xi32, #tpu.memory_space<vmem>>
      %dma_wait3A_151 = tpu.memref_slice %arg3[%add3A_5] : memref<160000xi32, #tpu.memory_space<hbm>> -> memref<80xi32, #tpu.memory_space<hbm>>
      %dma_wait3A_152 = arith.constant 0 : i32
      %dma_wait3A_153 = tpu.memref_slice %arg6[%run_scoped3A, %dma_wait3A_152] : memref<2x80xi32, #tpu.memory_space<vmem>> -> memref<1x80xi32, #tpu.memory_space<vmem>>
      %dma_wait3A_154 = tpu.memref_squeeze %dma_wait3A_153 : memref<1x80xi32, #tpu.memory_space<vmem>> -> memref<80xi32, #tpu.memory_space<vmem>>
      %dma_wait3A_155 = tpu.memref_slice %arg3[%add3A_5] : memref<160000xi32, #tpu.memory_space<hbm>> -> memref<80xi32, #tpu.memory_space<hbm>>
      tpu.wait_dma2 semaphore(%run_scoped3A_139 : memref<!tpu.dma_semaphore, #tpu.memory_space<semaphore_mem>>) src(%dma_wait3A_155 : memref<80xi32, #tpu.memory_space<hbm>>) dst(%dma_wait3A_154 : memref<80xi32, #tpu.memory_space<vmem>>)
      tpu.yield
    }) : () -> ()
    %dma_start3A = arith.constant 0 : i32
    %dma_start3A_6 = arith.constant 0 : i32
    %dma_start3A_7 = arith.constant 0 : i32
    %dma_start3A_8 = arith.constant 0 : i32
    %dma_start3A_9 = tpu.memref_slice %arg7[%dma_start3A, %dma_start3A_7, %dma_start3A_8] : memref<2x80x128xf32, #tpu.memory_space<vmem>> -> memref<1x80x128xf32, #tpu.memory_space<vmem>>
    %dma_start3A_10 = tpu.memref_squeeze %dma_start3A_9 : memref<1x80x128xf32, #tpu.memory_space<vmem>> -> memref<80x128xf32, #tpu.memory_space<vmem>>
    %dma_start3A_11 = tpu.memref_slice %arg2[%add3A_5, %mul3A_0] : memref<160000x256xf32, #tpu.memory_space<hbm>> -> memref<80x128xf32, #tpu.memory_space<hbm>>
    %dma_start3A_12 = tpu.memref_slice %arg9[%dma_start3A_6] : memref<2x!tpu.dma_semaphore, #tpu.memory_space<semaphore_mem>> -> memref<1x!tpu.dma_semaphore, #tpu.memory_space<semaphore_mem>>
    %dma_start3A_13 = tpu.memref_squeeze %dma_start3A_12 : memref<1x!tpu.dma_semaphore, #tpu.memory_space<semaphore_mem>> -> memref<!tpu.dma_semaphore, #tpu.memory_space<semaphore_mem>>
    %dma_start3A_14 = arith.constant 0 : i32
    %dma_start3A_15 = arith.constant 0 : i32
    %dma_start3A_16 = tpu.memref_slice %arg7[%dma_start3A, %dma_start3A_14, %dma_start3A_15] : memref<2x80x128xf32, #tpu.memory_space<vmem>> -> memref<1x80x128xf32, #tpu.memory_space<vmem>>
    %dma_start3A_17 = tpu.memref_squeeze %dma_start3A_16 : memref<1x80x128xf32, #tpu.memory_space<vmem>> -> memref<80x128xf32, #tpu.memory_space<vmem>>
    %dma_start3A_18 = tpu.memref_slice %arg2[%add3A_5, %mul3A_0] : memref<160000x256xf32, #tpu.memory_space<hbm>> -> memref<80x128xf32, #tpu.memory_space<hbm>>
    tpu.enqueue_dma source(%dma_start3A_18 : memref<80x128xf32, #tpu.memory_space<hbm>>) target(%dma_start3A_17 : memref<80x128xf32, #tpu.memory_space<vmem>>) target_semaphore(%dma_start3A_13 : memref<!tpu.dma_semaphore, #tpu.memory_space<semaphore_mem>>)
    %add3A_19 = arith.constant 80 : i32
    %add3A_20 = arith.addi %mul3A_4, %add3A_19 : i32
    %run_scoped3A_21 = arith.constant 1 : i32
    "tpu.region"() ({
      %run_scoped3A_139 = tpu.sem_alloc : memref<!tpu.dma_semaphore, #tpu.memory_space<semaphore_mem>>
      %dma_start3A_140 = arith.constant 0 : i32
      %dma_start3A_141 = tpu.memref_slice %arg6[%run_scoped3A_21, %dma_start3A_140] : memref<2x80xi32, #tpu.memory_space<vmem>> -> memref<1x80xi32, #tpu.memory_space<vmem>>
      %dma_start3A_142 = tpu.memref_squeeze %dma_start3A_141 : memref<1x80xi32, #tpu.memory_space<vmem>> -> memref<80xi32, #tpu.memory_space<vmem>>
      %dma_start3A_143 = tpu.memref_slice %arg3[%add3A_20] : memref<160000xi32, #tpu.memory_space<hbm>> -> memref<80xi32, #tpu.memory_space<hbm>>
      %dma_start3A_144 = arith.constant 0 : i32
      %dma_start3A_145 = tpu.memref_slice %arg6[%run_scoped3A_21, %dma_start3A_144] : memref<2x80xi32, #tpu.memory_space<vmem>> -> memref<1x80xi32, #tpu.memory_space<vmem>>
      %dma_start3A_146 = tpu.memref_squeeze %dma_start3A_145 : memref<1x80xi32, #tpu.memory_space<vmem>> -> memref<80xi32, #tpu.memory_space<vmem>>
      %dma_start3A_147 = tpu.memref_slice %arg3[%add3A_20] : memref<160000xi32, #tpu.memory_space<hbm>> -> memref<80xi32, #tpu.memory_space<hbm>>
      tpu.enqueue_dma source(%dma_start3A_147 : memref<80xi32, #tpu.memory_space<hbm>>) target(%dma_start3A_146 : memref<80xi32, #tpu.memory_space<vmem>>) target_semaphore(%run_scoped3A_139 : memref<!tpu.dma_semaphore, #tpu.memory_space<semaphore_mem>>)
      %dma_wait3A_148 = arith.constant 0 : i32
      %dma_wait3A_149 = tpu.memref_slice %arg6[%run_scoped3A_21, %dma_wait3A_148] : memref<2x80xi32, #tpu.memory_space<vmem>> -> memref<1x80xi32, #tpu.memory_space<vmem>>
      %dma_wait3A_150 = tpu.memref_squeeze %dma_wait3A_149 : memref<1x80xi32, #tpu.memory_space<vmem>> -> memref<80xi32, #tpu.memory_space<vmem>>
      %dma_wait3A_151 = tpu.memref_slice %arg3[%add3A_20] : memref<160000xi32, #tpu.memory_space<hbm>> -> memref<80xi32, #tpu.memory_space<hbm>>
      %dma_wait3A_152 = arith.constant 0 : i32
      %dma_wait3A_153 = tpu.memref_slice %arg6[%run_scoped3A_21, %dma_wait3A_152] : memref<2x80xi32, #tpu.memory_space<vmem>> -> memref<1x80xi32, #tpu.memory_space<vmem>>
      %dma_wait3A_154 = tpu.memref_squeeze %dma_wait3A_153 : memref<1x80xi32, #tpu.memory_space<vmem>> -> memref<80xi32, #tpu.memory_space<vmem>>
      %dma_wait3A_155 = tpu.memref_slice %arg3[%add3A_20] : memref<160000xi32, #tpu.memory_space<hbm>> -> memref<80xi32, #tpu.memory_space<hbm>>
      tpu.wait_dma2 semaphore(%run_scoped3A_139 : memref<!tpu.dma_semaphore, #tpu.memory_space<semaphore_mem>>) src(%dma_wait3A_155 : memref<80xi32, #tpu.memory_space<hbm>>) dst(%dma_wait3A_154 : memref<80xi32, #tpu.memory_space<vmem>>)
      tpu.yield
    }) : () -> ()
    %dma_start3A_22 = arith.constant 1 : i32
    %dma_start3A_23 = arith.constant 1 : i32
    %dma_start3A_24 = arith.constant 0 : i32
    %dma_start3A_25 = arith.constant 0 : i32
    %dma_start3A_26 = tpu.memref_slice %arg7[%dma_start3A_22, %dma_start3A_24, %dma_start3A_25] : memref<2x80x128xf32, #tpu.memory_space<vmem>> -> memref<1x80x128xf32, #tpu.memory_space<vmem>>
    %dma_start3A_27 = tpu.memref_squeeze %dma_start3A_26 : memref<1x80x128xf32, #tpu.memory_space<vmem>> -> memref<80x128xf32, #tpu.memory_space<vmem>>
    %dma_start3A_28 = tpu.memref_slice %arg2[%add3A_20, %mul3A_0] : memref<160000x256xf32, #tpu.memory_space<hbm>> -> memref<80x128xf32, #tpu.memory_space<hbm>>
    %dma_start3A_29 = tpu.memref_slice %arg9[%dma_start3A_23] : memref<2x!tpu.dma_semaphore, #tpu.memory_space<semaphore_mem>> -> memref<1x!tpu.dma_semaphore, #tpu.memory_space<semaphore_mem>>
    %dma_start3A_30 = tpu.memref_squeeze %dma_start3A_29 : memref<1x!tpu.dma_semaphore, #tpu.memory_space<semaphore_mem>> -> memref<!tpu.dma_semaphore, #tpu.memory_space<semaphore_mem>>
    %dma_start3A_31 = arith.constant 0 : i32
    %dma_start3A_32 = arith.constant 0 : i32
    %dma_start3A_33 = tpu.memref_slice %arg7[%dma_start3A_22, %dma_start3A_31, %dma_start3A_32] : memref<2x80x128xf32, #tpu.memory_space<vmem>> -> memref<1x80x128xf32, #tpu.memory_space<vmem>>
    %dma_start3A_34 = tpu.memref_squeeze %dma_start3A_33 : memref<1x80x128xf32, #tpu.memory_space<vmem>> -> memref<80x128xf32, #tpu.memory_space<vmem>>
    %dma_start3A_35 = tpu.memref_slice %arg2[%add3A_20, %mul3A_0] : memref<160000x256xf32, #tpu.memory_space<hbm>> -> memref<80x128xf32, #tpu.memory_space<hbm>>
    tpu.enqueue_dma source(%dma_start3A_35 : memref<80x128xf32, #tpu.memory_space<hbm>>) target(%dma_start3A_34 : memref<80x128xf32, #tpu.memory_space<vmem>>) target_semaphore(%dma_start3A_30 : memref<!tpu.dma_semaphore, #tpu.memory_space<semaphore_mem>>)
    %add3A_36 = arith.constant 0 : i32
    %add3A_37 = arith.addi %mul3A_4, %add3A_36 : i32
    %dma_wait3A = arith.constant 0 : i32
    %dma_wait3A_38 = arith.constant 0 : i32
    %dma_wait3A_39 = arith.constant 0 : i32
    %dma_wait3A_40 = arith.constant 0 : i32
    %dma_wait3A_41 = tpu.memref_slice %arg7[%dma_wait3A, %dma_wait3A_39, %dma_wait3A_40] : memref<2x80x128xf32, #tpu.memory_space<vmem>> -> memref<1x80x128xf32, #tpu.memory_space<vmem>>
    %dma_wait3A_42 = tpu.memref_squeeze %dma_wait3A_41 : memref<1x80x128xf32, #tpu.memory_space<vmem>> -> memref<80x128xf32, #tpu.memory_space<vmem>>
    %dma_wait3A_43 = tpu.memref_slice %arg2[%add3A_37, %mul3A_0] : memref<160000x256xf32, #tpu.memory_space<hbm>> -> memref<80x128xf32, #tpu.memory_space<hbm>>
    %dma_wait3A_44 = tpu.memref_slice %arg9[%dma_wait3A_38] : memref<2x!tpu.dma_semaphore, #tpu.memory_space<semaphore_mem>> -> memref<1x!tpu.dma_semaphore, #tpu.memory_space<semaphore_mem>>
    %dma_wait3A_45 = tpu.memref_squeeze %dma_wait3A_44 : memref<1x!tpu.dma_semaphore, #tpu.memory_space<semaphore_mem>> -> memref<!tpu.dma_semaphore, #tpu.memory_space<semaphore_mem>>
    %dma_wait3A_46 = arith.constant 0 : i32
    %dma_wait3A_47 = arith.constant 0 : i32
    %dma_wait3A_48 = tpu.memref_slice %arg7[%dma_wait3A, %dma_wait3A_46, %dma_wait3A_47] : memref<2x80x128xf32, #tpu.memory_space<vmem>> -> memref<1x80x128xf32, #tpu.memory_space<vmem>>
    %dma_wait3A_49 = tpu.memref_squeeze %dma_wait3A_48 : memref<1x80x128xf32, #tpu.memory_space<vmem>> -> memref<80x128xf32, #tpu.memory_space<vmem>>
    %dma_wait3A_50 = tpu.memref_slice %arg2[%add3A_37, %mul3A_0] : memref<160000x256xf32, #tpu.memory_space<hbm>> -> memref<80x128xf32, #tpu.memory_space<hbm>>
    tpu.wait_dma2 semaphore(%dma_wait3A_45 : memref<!tpu.dma_semaphore, #tpu.memory_space<semaphore_mem>>) src(%dma_wait3A_50 : memref<80x128xf32, #tpu.memory_space<hbm>>) dst(%dma_wait3A_49 : memref<80x128xf32, #tpu.memory_space<vmem>>)
    %dma_start3A_51 = arith.constant 0 : i32
    %dma_start3A_52 = arith.constant 0 : i32
    %dma_start3A_53 = arith.constant 0 : i32
    %dma_start3A_54 = arith.constant 0 : i32
    %dma_start3A_55 = arith.constant 0 : i32
    %dma_start3A_56 = tpu.memref_slice %arg7[%dma_start3A_51, %dma_start3A_54, %dma_start3A_55] : memref<2x80x128xf32, #tpu.memory_space<vmem>> -> memref<1x80x128xf32, #tpu.memory_space<vmem>>
    %dma_start3A_57 = tpu.memref_squeeze %dma_start3A_56 : memref<1x80x128xf32, #tpu.memory_space<vmem>> -> memref<80x128xf32, #tpu.memory_space<vmem>>
    %dma_start3A_58 = arith.constant 0 : i32
    %dma_start3A_59 = tpu.memref_slice %arg6[%dma_start3A_52, %dma_start3A_58] : memref<2x80xi32, #tpu.memory_space<vmem>> -> memref<1x80xi32, #tpu.memory_space<vmem>>
    %dma_start3A_60 = tpu.memref_squeeze %dma_start3A_59 : memref<1x80xi32, #tpu.memory_space<vmem>> -> memref<80xi32, #tpu.memory_space<vmem>>
    %dma_start3A_61 = arith.constant 0 : i32
    %dma_start3A_62 = arith.constant 0 : i32
    %dma_start3A_63 = tpu.memref_slice %arg8[%dma_start3A_61, %dma_start3A_62] : memref<10240x128xf32, #tpu.memory_space<vmem_shared>> -> memref<10240x128xf32, #tpu.memory_space<vmem_shared>>
    %dma_start3A_64 = tpu.memref_slice %arg10[%dma_start3A_53] : memref<2x!tpu.dma_semaphore, #tpu.memory_space<semaphore_mem>> -> memref<1x!tpu.dma_semaphore, #tpu.memory_space<semaphore_mem>>
    %dma_start3A_65 = tpu.memref_squeeze %dma_start3A_64 : memref<1x!tpu.dma_semaphore, #tpu.memory_space<semaphore_mem>> -> memref<!tpu.dma_semaphore, #tpu.memory_space<semaphore_mem>>
    tpu.enqueue_indirect_dma source(%dma_start3A_57 : memref<80x128xf32, #tpu.memory_space<vmem>>) target(%dma_start3A_63 : memref<10240x128xf32, #tpu.memory_space<vmem_shared>>) offsets(%dma_start3A_60 : memref<80xi32, #tpu.memory_space<vmem>>) semaphore(%dma_start3A_65 : memref<!tpu.dma_semaphore, #tpu.memory_space<semaphore_mem>>) {add = true}
    %scan3A = arith.constant 0 : i32
    %scan3A_66 = arith.constant 2 : i32
    %scan3A_67 = arith.constant 123 : i32
    %scan3A_68 = arith.addi %scan3A_66, %scan3A_67 : i32
    %scan3A_69 = arith.constant 1 : i32
    scf.for %scan3A_139 = %scan3A_66 to %scan3A_68 step %scan3A_69  : i32 {
      %rem3A = arith.constant 2 : i32
      %rem3A_140 = arith.remsi %scan3A_139, %rem3A : i32
      %sub3A = arith.constant 1 : i32
      %sub3A_141 = arith.subi %sub3A, %rem3A_140 : i32
      %dma_wait3A_142 = arith.constant 0 : i32
      %dma_wait3A_143 = arith.constant 0 : i32
      %dma_wait3A_144 = tpu.memref_slice %arg7[%rem3A_140, %dma_wait3A_142, %dma_wait3A_143] : memref<2x80x128xf32, #tpu.memory_space<vmem>> -> memref<1x80x128xf32, #tpu.memory_space<vmem>>
      %dma_wait3A_145 = tpu.memref_squeeze %dma_wait3A_144 : memref<1x80x128xf32, #tpu.memory_space<vmem>> -> memref<80x128xf32, #tpu.memory_space<vmem>>
      %dma_wait3A_146 = arith.constant 0 : i32
      %dma_wait3A_147 = tpu.memref_slice %arg6[%rem3A_140, %dma_wait3A_146] : memref<2x80xi32, #tpu.memory_space<vmem>> -> memref<1x80xi32, #tpu.memory_space<vmem>>
      %dma_wait3A_148 = tpu.memref_squeeze %dma_wait3A_147 : memref<1x80xi32, #tpu.memory_space<vmem>> -> memref<80xi32, #tpu.memory_space<vmem>>
      %dma_wait3A_149 = arith.constant 0 : i32
      %dma_wait3A_150 = arith.constant 0 : i32
      %dma_wait3A_151 = tpu.memref_slice %arg8[%dma_wait3A_149, %dma_wait3A_150] : memref<10240x128xf32, #tpu.memory_space<vmem_shared>> -> memref<10240x128xf32, #tpu.memory_space<vmem_shared>>
      %dma_wait3A_152 = tpu.memref_slice %arg10[%rem3A_140] : memref<2x!tpu.dma_semaphore, #tpu.memory_space<semaphore_mem>> -> memref<1x!tpu.dma_semaphore, #tpu.memory_space<semaphore_mem>>
      %dma_wait3A_153 = tpu.memref_squeeze %dma_wait3A_152 : memref<1x!tpu.dma_semaphore, #tpu.memory_space<semaphore_mem>> -> memref<!tpu.dma_semaphore, #tpu.memory_space<semaphore_mem>>
      tpu.wait_indirect_dma semaphore(%dma_wait3A_153 : memref<!tpu.dma_semaphore, #tpu.memory_space<semaphore_mem>>) src(%dma_wait3A_145 : memref<80x128xf32, #tpu.memory_space<vmem>>) dst(%dma_wait3A_151 : memref<10240x128xf32, #tpu.memory_space<vmem_shared>>)
      %mul3A_154 = arith.constant 80 : i32
      %mul3A_155 = arith.muli %scan3A_139, %mul3A_154 : i32
      %add3A_156 = arith.addi %mul3A_4, %mul3A_155 : i32
      "tpu.region"() ({
        %run_scoped3A_198 = tpu.sem_alloc : memref<!tpu.dma_semaphore, #tpu.memory_space<semaphore_mem>>
        %dma_start3A_199 = arith.constant 0 : i32
        %dma_start3A_200 = tpu.memref_slice %arg6[%rem3A_140, %dma_start3A_199] : memref<2x80xi32, #tpu.memory_space<vmem>> -> memref<1x80xi32, #tpu.memory_space<vmem>>
        %dma_start3A_201 = tpu.memref_squeeze %dma_start3A_200 : memref<1x80xi32, #tpu.memory_space<vmem>> -> memref<80xi32, #tpu.memory_space<vmem>>
        %dma_start3A_202 = tpu.memref_slice %arg3[%add3A_156] : memref<160000xi32, #tpu.memory_space<hbm>> -> memref<80xi32, #tpu.memory_space<hbm>>
        %dma_start3A_203 = arith.constant 0 : i32
        %dma_start3A_204 = tpu.memref_slice %arg6[%rem3A_140, %dma_start3A_203] : memref<2x80xi32, #tpu.memory_space<vmem>> -> memref<1x80xi32, #tpu.memory_space<vmem>>
        %dma_start3A_205 = tpu.memref_squeeze %dma_start3A_204 : memref<1x80xi32, #tpu.memory_space<vmem>> -> memref<80xi32, #tpu.memory_space<vmem>>
        %dma_start3A_206 = tpu.memref_slice %arg3[%add3A_156] : memref<160000xi32, #tpu.memory_space<hbm>> -> memref<80xi32, #tpu.memory_space<hbm>>
        tpu.enqueue_dma source(%dma_start3A_206 : memref<80xi32, #tpu.memory_space<hbm>>) target(%dma_start3A_205 : memref<80xi32, #tpu.memory_space<vmem>>) target_semaphore(%run_scoped3A_198 : memref<!tpu.dma_semaphore, #tpu.memory_space<semaphore_mem>>)
        %dma_wait3A_207 = arith.constant 0 : i32
        %dma_wait3A_208 = tpu.memref_slice %arg6[%rem3A_140, %dma_wait3A_207] : memref<2x80xi32, #tpu.memory_space<vmem>> -> memref<1x80xi32, #tpu.memory_space<vmem>>
        %dma_wait3A_209 = tpu.memref_squeeze %dma_wait3A_208 : memref<1x80xi32, #tpu.memory_space<vmem>> -> memref<80xi32, #tpu.memory_space<vmem>>
        %dma_wait3A_210 = tpu.memref_slice %arg3[%add3A_156] : memref<160000xi32, #tpu.memory_space<hbm>> -> memref<80xi32, #tpu.memory_space<hbm>>
        %dma_wait3A_211 = arith.constant 0 : i32
        %dma_wait3A_212 = tpu.memref_slice %arg6[%rem3A_140, %dma_wait3A_211] : memref<2x80xi32, #tpu.memory_space<vmem>> -> memref<1x80xi32, #tpu.memory_space<vmem>>
        %dma_wait3A_213 = tpu.memref_squeeze %dma_wait3A_212 : memref<1x80xi32, #tpu.memory_space<vmem>> -> memref<80xi32, #tpu.memory_space<vmem>>
        %dma_wait3A_214 = tpu.memref_slice %arg3[%add3A_156] : memref<160000xi32, #tpu.memory_space<hbm>> -> memref<80xi32, #tpu.memory_space<hbm>>
        tpu.wait_dma2 semaphore(%run_scoped3A_198 : memref<!tpu.dma_semaphore, #tpu.memory_space<semaphore_mem>>) src(%dma_wait3A_214 : memref<80xi32, #tpu.memory_space<hbm>>) dst(%dma_wait3A_213 : memref<80xi32, #tpu.memory_space<vmem>>)
        tpu.yield
      }) : () -> ()
      %dma_start3A_157 = arith.constant 0 : i32
      %dma_start3A_158 = arith.constant 0 : i32
      %dma_start3A_159 = tpu.memref_slice %arg7[%rem3A_140, %dma_start3A_157, %dma_start3A_158] : memref<2x80x128xf32, #tpu.memory_space<vmem>> -> memref<1x80x128xf32, #tpu.memory_space<vmem>>
      %dma_start3A_160 = tpu.memref_squeeze %dma_start3A_159 : memref<1x80x128xf32, #tpu.memory_space<vmem>> -> memref<80x128xf32, #tpu.memory_space<vmem>>
      %dma_start3A_161 = tpu.memref_slice %arg2[%add3A_156, %mul3A_0] : memref<160000x256xf32, #tpu.memory_space<hbm>> -> memref<80x128xf32, #tpu.memory_space<hbm>>
      %dma_start3A_162 = tpu.memref_slice %arg9[%rem3A_140] : memref<2x!tpu.dma_semaphore, #tpu.memory_space<semaphore_mem>> -> memref<1x!tpu.dma_semaphore, #tpu.memory_space<semaphore_mem>>
      %dma_start3A_163 = tpu.memref_squeeze %dma_start3A_162 : memref<1x!tpu.dma_semaphore, #tpu.memory_space<semaphore_mem>> -> memref<!tpu.dma_semaphore, #tpu.memory_space<semaphore_mem>>
      %dma_start3A_164 = arith.constant 0 : i32
      %dma_start3A_165 = arith.constant 0 : i32
      %dma_start3A_166 = tpu.memref_slice %arg7[%rem3A_140, %dma_start3A_164, %dma_start3A_165] : memref<2x80x128xf32, #tpu.memory_space<vmem>> -> memref<1x80x128xf32, #tpu.memory_space<vmem>>
      %dma_start3A_167 = tpu.memref_squeeze %dma_start3A_166 : memref<1x80x128xf32, #tpu.memory_space<vmem>> -> memref<80x128xf32, #tpu.memory_space<vmem>>
      %dma_start3A_168 = tpu.memref_slice %arg2[%add3A_156, %mul3A_0] : memref<160000x256xf32, #tpu.memory_space<hbm>> -> memref<80x128xf32, #tpu.memory_space<hbm>>
      tpu.enqueue_dma source(%dma_start3A_168 : memref<80x128xf32, #tpu.memory_space<hbm>>) target(%dma_start3A_167 : memref<80x128xf32, #tpu.memory_space<vmem>>) target_semaphore(%dma_start3A_163 : memref<!tpu.dma_semaphore, #tpu.memory_space<semaphore_mem>>)
      %sub3A_169 = arith.constant 1 : i32
      %sub3A_170 = arith.subi %scan3A_139, %sub3A_169 : i32
      %mul3A_171 = arith.constant 80 : i32
      %mul3A_172 = arith.muli %sub3A_170, %mul3A_171 : i32
      %add3A_173 = arith.addi %mul3A_4, %mul3A_172 : i32
      %dma_wait3A_174 = arith.constant 0 : i32
      %dma_wait3A_175 = arith.constant 0 : i32
      %dma_wait3A_176 = tpu.memref_slice %arg7[%sub3A_141, %dma_wait3A_174, %dma_wait3A_175] : memref<2x80x128xf32, #tpu.memory_space<vmem>> -> memref<1x80x128xf32, #tpu.memory_space<vmem>>
      %dma_wait3A_177 = tpu.memref_squeeze %dma_wait3A_176 : memref<1x80x128xf32, #tpu.memory_space<vmem>> -> memref<80x128xf32, #tpu.memory_space<vmem>>
      %dma_wait3A_178 = tpu.memref_slice %arg2[%add3A_173, %mul3A_0] : memref<160000x256xf32, #tpu.memory_space<hbm>> -> memref<80x128xf32, #tpu.memory_space<hbm>>
      %dma_wait3A_179 = tpu.memref_slice %arg9[%sub3A_141] : memref<2x!tpu.dma_semaphore, #tpu.memory_space<semaphore_mem>> -> memref<1x!tpu.dma_semaphore, #tpu.memory_space<semaphore_mem>>
      %dma_wait3A_180 = tpu.memref_squeeze %dma_wait3A_179 : memref<1x!tpu.dma_semaphore, #tpu.memory_space<semaphore_mem>> -> memref<!tpu.dma_semaphore, #tpu.memory_space<semaphore_mem>>
      %dma_wait3A_181 = arith.constant 0 : i32
      %dma_wait3A_182 = arith.constant 0 : i32
      %dma_wait3A_183 = tpu.memref_slice %arg7[%sub3A_141, %dma_wait3A_181, %dma_wait3A_182] : memref<2x80x128xf32, #tpu.memory_space<vmem>> -> memref<1x80x128xf32, #tpu.memory_space<vmem>>
      %dma_wait3A_184 = tpu.memref_squeeze %dma_wait3A_183 : memref<1x80x128xf32, #tpu.memory_space<vmem>> -> memref<80x128xf32, #tpu.memory_space<vmem>>
      %dma_wait3A_185 = tpu.memref_slice %arg2[%add3A_173, %mul3A_0] : memref<160000x256xf32, #tpu.memory_space<hbm>> -> memref<80x128xf32, #tpu.memory_space<hbm>>
      tpu.wait_dma2 semaphore(%dma_wait3A_180 : memref<!tpu.dma_semaphore, #tpu.memory_space<semaphore_mem>>) src(%dma_wait3A_185 : memref<80x128xf32, #tpu.memory_space<hbm>>) dst(%dma_wait3A_184 : memref<80x128xf32, #tpu.memory_space<vmem>>)
      %dma_start3A_186 = arith.constant 0 : i32
      %dma_start3A_187 = arith.constant 0 : i32
      %dma_start3A_188 = tpu.memref_slice %arg7[%sub3A_141, %dma_start3A_186, %dma_start3A_187] : memref<2x80x128xf32, #tpu.memory_space<vmem>> -> memref<1x80x128xf32, #tpu.memory_space<vmem>>
      %dma_start3A_189 = tpu.memref_squeeze %dma_start3A_188 : memref<1x80x128xf32, #tpu.memory_space<vmem>> -> memref<80x128xf32, #tpu.memory_space<vmem>>
      %dma_start3A_190 = arith.constant 0 : i32
      %dma_start3A_191 = tpu.memref_slice %arg6[%sub3A_141, %dma_start3A_190] : memref<2x80xi32, #tpu.memory_space<vmem>> -> memref<1x80xi32, #tpu.memory_space<vmem>>
      %dma_start3A_192 = tpu.memref_squeeze %dma_start3A_191 : memref<1x80xi32, #tpu.memory_space<vmem>> -> memref<80xi32, #tpu.memory_space<vmem>>
      %dma_start3A_193 = arith.constant 0 : i32
      %dma_start3A_194 = arith.constant 0 : i32
      %dma_start3A_195 = tpu.memref_slice %arg8[%dma_start3A_193, %dma_start3A_194] : memref<10240x128xf32, #tpu.memory_space<vmem_shared>> -> memref<10240x128xf32, #tpu.memory_space<vmem_shared>>
      %dma_start3A_196 = tpu.memref_slice %arg10[%sub3A_141] : memref<2x!tpu.dma_semaphore, #tpu.memory_space<semaphore_mem>> -> memref<1x!tpu.dma_semaphore, #tpu.memory_space<semaphore_mem>>
      %dma_start3A_197 = tpu.memref_squeeze %dma_start3A_196 : memref<1x!tpu.dma_semaphore, #tpu.memory_space<semaphore_mem>> -> memref<!tpu.dma_semaphore, #tpu.memory_space<semaphore_mem>>
      tpu.enqueue_indirect_dma source(%dma_start3A_189 : memref<80x128xf32, #tpu.memory_space<vmem>>) target(%dma_start3A_195 : memref<10240x128xf32, #tpu.memory_space<vmem_shared>>) offsets(%dma_start3A_192 : memref<80xi32, #tpu.memory_space<vmem>>) semaphore(%dma_start3A_197 : memref<!tpu.dma_semaphore, #tpu.memory_space<semaphore_mem>>) {add = true}
    }
    %scan3A_70 = arith.constant 123 : i32
    %dma_wait3A_71 = arith.constant 1 : i32
    %dma_wait3A_72 = arith.constant 1 : i32
    %dma_wait3A_73 = arith.constant 1 : i32
    %dma_wait3A_74 = arith.constant 0 : i32
    %dma_wait3A_75 = arith.constant 0 : i32
    %dma_wait3A_76 = tpu.memref_slice %arg7[%dma_wait3A_71, %dma_wait3A_74, %dma_wait3A_75] : memref<2x80x128xf32, #tpu.memory_space<vmem>> -> memref<1x80x128xf32, #tpu.memory_space<vmem>>
    %dma_wait3A_77 = tpu.memref_squeeze %dma_wait3A_76 : memref<1x80x128xf32, #tpu.memory_space<vmem>> -> memref<80x128xf32, #tpu.memory_space<vmem>>
    %dma_wait3A_78 = arith.constant 0 : i32
    %dma_wait3A_79 = tpu.memref_slice %arg6[%dma_wait3A_72, %dma_wait3A_78] : memref<2x80xi32, #tpu.memory_space<vmem>> -> memref<1x80xi32, #tpu.memory_space<vmem>>
    %dma_wait3A_80 = tpu.memref_squeeze %dma_wait3A_79 : memref<1x80xi32, #tpu.memory_space<vmem>> -> memref<80xi32, #tpu.memory_space<vmem>>
    %dma_wait3A_81 = arith.constant 0 : i32
    %dma_wait3A_82 = arith.constant 0 : i32
    %dma_wait3A_83 = tpu.memref_slice %arg8[%dma_wait3A_81, %dma_wait3A_82] : memref<10240x128xf32, #tpu.memory_space<vmem_shared>> -> memref<10240x128xf32, #tpu.memory_space<vmem_shared>>
    %dma_wait3A_84 = tpu.memref_slice %arg10[%dma_wait3A_73] : memref<2x!tpu.dma_semaphore, #tpu.memory_space<semaphore_mem>> -> memref<1x!tpu.dma_semaphore, #tpu.memory_space<semaphore_mem>>
    %dma_wait3A_85 = tpu.memref_squeeze %dma_wait3A_84 : memref<1x!tpu.dma_semaphore, #tpu.memory_space<semaphore_mem>> -> memref<!tpu.dma_semaphore, #tpu.memory_space<semaphore_mem>>
    tpu.wait_indirect_dma semaphore(%dma_wait3A_85 : memref<!tpu.dma_semaphore, #tpu.memory_space<semaphore_mem>>) src(%dma_wait3A_77 : memref<80x128xf32, #tpu.memory_space<vmem>>) dst(%dma_wait3A_83 : memref<10240x128xf32, #tpu.memory_space<vmem_shared>>)
    %add3A_86 = arith.constant 9920 : i32
    %add3A_87 = arith.addi %mul3A_4, %add3A_86 : i32
    %dma_wait3A_88 = arith.constant 0 : i32
    %dma_wait3A_89 = arith.constant 0 : i32
    %dma_wait3A_90 = arith.constant 0 : i32
    %dma_wait3A_91 = arith.constant 0 : i32
    %dma_wait3A_92 = tpu.memref_slice %arg7[%dma_wait3A_88, %dma_wait3A_90, %dma_wait3A_91] : memref<2x80x128xf32, #tpu.memory_space<vmem>> -> memref<1x80x128xf32, #tpu.memory_space<vmem>>
    %dma_wait3A_93 = tpu.memref_squeeze %dma_wait3A_92 : memref<1x80x128xf32, #tpu.memory_space<vmem>> -> memref<80x128xf32, #tpu.memory_space<vmem>>
    %dma_wait3A_94 = tpu.memref_slice %arg2[%add3A_87, %mul3A_0] : memref<160000x256xf32, #tpu.memory_space<hbm>> -> memref<80x128xf32, #tpu.memory_space<hbm>>
    %dma_wait3A_95 = tpu.memref_slice %arg9[%dma_wait3A_89] : memref<2x!tpu.dma_semaphore, #tpu.memory_space<semaphore_mem>> -> memref<1x!tpu.dma_semaphore, #tpu.memory_space<semaphore_mem>>
    %dma_wait3A_96 = tpu.memref_squeeze %dma_wait3A_95 : memref<1x!tpu.dma_semaphore, #tpu.memory_space<semaphore_mem>> -> memref<!tpu.dma_semaphore, #tpu.memory_space<semaphore_mem>>
    %dma_wait3A_97 = arith.constant 0 : i32
    %dma_wait3A_98 = arith.constant 0 : i32
    %dma_wait3A_99 = tpu.memref_slice %arg7[%dma_wait3A_88, %dma_wait3A_97, %dma_wait3A_98] : memref<2x80x128xf32, #tpu.memory_space<vmem>> -> memref<1x80x128xf32, #tpu.memory_space<vmem>>
    %dma_wait3A_100 = tpu.memref_squeeze %dma_wait3A_99 : memref<1x80x128xf32, #tpu.memory_space<vmem>> -> memref<80x128xf32, #tpu.memory_space<vmem>>
    %dma_wait3A_101 = tpu.memref_slice %arg2[%add3A_87, %mul3A_0] : memref<160000x256xf32, #tpu.memory_space<hbm>> -> memref<80x128xf32, #tpu.memory_space<hbm>>
    tpu.wait_dma2 semaphore(%dma_wait3A_96 : memref<!tpu.dma_semaphore, #tpu.memory_space<semaphore_mem>>) src(%dma_wait3A_101 : memref<80x128xf32, #tpu.memory_space<hbm>>) dst(%dma_wait3A_100 : memref<80x128xf32, #tpu.memory_space<vmem>>)
    %dma_start3A_102 = arith.constant 0 : i32
    %dma_start3A_103 = arith.constant 0 : i32
    %dma_start3A_104 = arith.constant 0 : i32
    %dma_start3A_105 = arith.constant 0 : i32
    %dma_start3A_106 = arith.constant 0 : i32
    %dma_start3A_107 = tpu.memref_slice %arg7[%dma_start3A_102, %dma_start3A_105, %dma_start3A_106] : memref<2x80x128xf32, #tpu.memory_space<vmem>> -> memref<1x80x128xf32, #tpu.memory_space<vmem>>
    %dma_start3A_108 = tpu.memref_squeeze %dma_start3A_107 : memref<1x80x128xf32, #tpu.memory_space<vmem>> -> memref<80x128xf32, #tpu.memory_space<vmem>>
    %dma_start3A_109 = arith.constant 0 : i32
    %dma_start3A_110 = tpu.memref_slice %arg6[%dma_start3A_103, %dma_start3A_109] : memref<2x80xi32, #tpu.memory_space<vmem>> -> memref<1x80xi32, #tpu.memory_space<vmem>>
    %dma_start3A_111 = tpu.memref_squeeze %dma_start3A_110 : memref<1x80xi32, #tpu.memory_space<vmem>> -> memref<80xi32, #tpu.memory_space<vmem>>
    %dma_start3A_112 = arith.constant 0 : i32
    %dma_start3A_113 = arith.constant 0 : i32
    %dma_start3A_114 = tpu.memref_slice %arg8[%dma_start3A_112, %dma_start3A_113] : memref<10240x128xf32, #tpu.memory_space<vmem_shared>> -> memref<10240x128xf32, #tpu.memory_space<vmem_shared>>
    %dma_start3A_115 = tpu.memref_slice %arg10[%dma_start3A_104] : memref<2x!tpu.dma_semaphore, #tpu.memory_space<semaphore_mem>> -> memref<1x!tpu.dma_semaphore, #tpu.memory_space<semaphore_mem>>
    %dma_start3A_116 = tpu.memref_squeeze %dma_start3A_115 : memref<1x!tpu.dma_semaphore, #tpu.memory_space<semaphore_mem>> -> memref<!tpu.dma_semaphore, #tpu.memory_space<semaphore_mem>>
    tpu.enqueue_indirect_dma source(%dma_start3A_108 : memref<80x128xf32, #tpu.memory_space<vmem>>) target(%dma_start3A_114 : memref<10240x128xf32, #tpu.memory_space<vmem_shared>>) offsets(%dma_start3A_111 : memref<80xi32, #tpu.memory_space<vmem>>) semaphore(%dma_start3A_116 : memref<!tpu.dma_semaphore, #tpu.memory_space<semaphore_mem>>) {add = true}
    %dma_wait3A_117 = arith.constant 0 : i32
    %dma_wait3A_118 = arith.constant 0 : i32
    %dma_wait3A_119 = arith.constant 0 : i32
    %dma_wait3A_120 = arith.constant 0 : i32
    %dma_wait3A_121 = arith.constant 0 : i32
    %dma_wait3A_122 = tpu.memref_slice %arg7[%dma_wait3A_117, %dma_wait3A_120, %dma_wait3A_121] : memref<2x80x128xf32, #tpu.memory_space<vmem>> -> memref<1x80x128xf32, #tpu.memory_space<vmem>>
    %dma_wait3A_123 = tpu.memref_squeeze %dma_wait3A_122 : memref<1x80x128xf32, #tpu.memory_space<vmem>> -> memref<80x128xf32, #tpu.memory_space<vmem>>
    %dma_wait3A_124 = arith.constant 0 : i32
    %dma_wait3A_125 = tpu.memref_slice %arg6[%dma_wait3A_118, %dma_wait3A_124] : memref<2x80xi32, #tpu.memory_space<vmem>> -> memref<1x80xi32, #tpu.memory_space<vmem>>
    %dma_wait3A_126 = tpu.memref_squeeze %dma_wait3A_125 : memref<1x80xi32, #tpu.memory_space<vmem>> -> memref<80xi32, #tpu.memory_space<vmem>>
    %dma_wait3A_127 = arith.constant 0 : i32
    %dma_wait3A_128 = arith.constant 0 : i32
    %dma_wait3A_129 = tpu.memref_slice %arg8[%dma_wait3A_127, %dma_wait3A_128] : memref<10240x128xf32, #tpu.memory_space<vmem_shared>> -> memref<10240x128xf32, #tpu.memory_space<vmem_shared>>
    %dma_wait3A_130 = tpu.memref_slice %arg10[%dma_wait3A_119] : memref<2x!tpu.dma_semaphore, #tpu.memory_space<semaphore_mem>> -> memref<1x!tpu.dma_semaphore, #tpu.memory_space<semaphore_mem>>
    %dma_wait3A_131 = tpu.memref_squeeze %dma_wait3A_130 : memref<1x!tpu.dma_semaphore, #tpu.memory_space<semaphore_mem>> -> memref<!tpu.dma_semaphore, #tpu.memory_space<semaphore_mem>>
    tpu.wait_indirect_dma semaphore(%dma_wait3A_131 : memref<!tpu.dma_semaphore, #tpu.memory_space<semaphore_mem>>) src(%dma_wait3A_123 : memref<80x128xf32, #tpu.memory_space<vmem>>) dst(%dma_wait3A_129 : memref<10240x128xf32, #tpu.memory_space<vmem_shared>>)
    %barrier3A_132 = arith.constant 0 : index
    tpu.barrier barrier_id(%barrier3A_132)
    %lt3A = arith.constant 15 : i32
    %lt3A_133 = arith.cmpi slt, %arg1, %lt3A : i32
    %convert_element_type3A = arith.extui %lt3A_133 : i1 to i32
    %cond3A = arith.constant 0 : i32
    %cond3A_134 = arith.cmpi ne, %convert_element_type3A, %cond3A : i32
    scf.if %cond3A_134 {
      "tpu.region"() ({
        %run_scoped3A_139 = tpu.sem_alloc : memref<!tpu.dma_semaphore, #tpu.memory_space<semaphore_mem>>
        %dma_start3A_140 = tpu.memref_slice %arg5[%mul3A_2, %mul3A_0] : memref<10000x256xf32, #tpu.memory_space<hbm>> -> memref<640x128xf32, #tpu.memory_space<hbm>>
        %dma_start3A_141 = arith.constant 0 : i32
        %dma_start3A_142 = tpu.memref_slice %arg8[%mul3A_2, %dma_start3A_141] : memref<10240x128xf32, #tpu.memory_space<vmem_shared>> -> memref<640x128xf32, #tpu.memory_space<vmem_shared>>
        tpu.enqueue_dma source(%dma_start3A_142 : memref<640x128xf32, #tpu.memory_space<vmem_shared>>) target(%dma_start3A_140 : memref<640x128xf32, #tpu.memory_space<hbm>>) target_semaphore(%run_scoped3A_139 : memref<!tpu.dma_semaphore, #tpu.memory_space<semaphore_mem>>)
        %dma_wait3A_143 = tpu.memref_slice %arg5[%mul3A_2, %mul3A_0] : memref<10000x256xf32, #tpu.memory_space<hbm>> -> memref<640x128xf32, #tpu.memory_space<hbm>>
        %dma_wait3A_144 = arith.constant 0 : i32
        %dma_wait3A_145 = tpu.memref_slice %arg8[%mul3A_2, %dma_wait3A_144] : memref<10240x128xf32, #tpu.memory_space<vmem_shared>> -> memref<640x128xf32, #tpu.memory_space<vmem_shared>>
        tpu.wait_dma2 semaphore(%run_scoped3A_139 : memref<!tpu.dma_semaphore, #tpu.memory_space<semaphore_mem>>) src(%dma_wait3A_145 : memref<640x128xf32, #tpu.memory_space<vmem_shared>>) dst(%dma_wait3A_143 : memref<640x128xf32, #tpu.memory_space<hbm>>)
        tpu.yield
      }) : () -> ()
    } else {
    }
    %eq3A = arith.constant 15 : i32
    %eq3A_135 = arith.cmpi eq, %arg1, %eq3A : i32
    %convert_element_type3A_136 = arith.extui %eq3A_135 : i1 to i32
    %cond3A_137 = arith.constant 0 : i32
    %cond3A_138 = arith.cmpi ne, %convert_element_type3A_136, %cond3A_137 : i32
    scf.if %cond3A_138 {
      "tpu.region"() ({
        %run_scoped3A_139 = tpu.sem_alloc : memref<!tpu.dma_semaphore, #tpu.memory_space<semaphore_mem>>
        %dma_start3A_140 = arith.constant 9600 : i32
        %dma_start3A_141 = tpu.memref_slice %arg5[%dma_start3A_140, %mul3A_0] : memref<10000x256xf32, #tpu.memory_space<hbm>> -> memref<400x128xf32, #tpu.memory_space<hbm>>
        %dma_start3A_142 = arith.constant 9600 : i32
        %dma_start3A_143 = arith.constant 0 : i32
        %dma_start3A_144 = tpu.memref_slice %arg8[%dma_start3A_142, %dma_start3A_143] : memref<10240x128xf32, #tpu.memory_space<vmem_shared>> -> memref<400x128xf32, #tpu.memory_space<vmem_shared>>
        tpu.enqueue_dma source(%dma_start3A_144 : memref<400x128xf32, #tpu.memory_space<vmem_shared>>) target(%dma_start3A_141 : memref<400x128xf32, #tpu.memory_space<hbm>>) target_semaphore(%run_scoped3A_139 : memref<!tpu.dma_semaphore, #tpu.memory_space<semaphore_mem>>)
        %dma_wait3A_145 = arith.constant 9600 : i32
        %dma_wait3A_146 = tpu.memref_slice %arg5[%dma_wait3A_145, %mul3A_0] : memref<10000x256xf32, #tpu.memory_space<hbm>> -> memref<400x128xf32, #tpu.memory_space<hbm>>
        %dma_wait3A_147 = arith.constant 9600 : i32
        %dma_wait3A_148 = arith.constant 0 : i32
        %dma_wait3A_149 = tpu.memref_slice %arg8[%dma_wait3A_147, %dma_wait3A_148] : memref<10240x128xf32, #tpu.memory_space<vmem_shared>> -> memref<400x128xf32, #tpu.memory_space<vmem_shared>>
        tpu.wait_dma2 semaphore(%run_scoped3A_139 : memref<!tpu.dma_semaphore, #tpu.memory_space<semaphore_mem>>) src(%dma_wait3A_149 : memref<400x128xf32, #tpu.memory_space<vmem_shared>>) dst(%dma_wait3A_146 : memref<400x128xf32, #tpu.memory_space<hbm>>)
        tpu.yield
      }) : () -> ()
    } else {
    }
    return
  }
}

#map = affine_map<(d0, d1) -> (0, 0)>
#map1 = affine_map<(d0, d1) -> (0)>
module attributes {stable_mosaic.version = 14 : i64} {
  func.func @_sc_gather(%arg0: i32, %arg1: i32, %arg2: memref<10000x128xf32, #tpu.memory_space<hbm>>, %arg3: memref<160000xi32, #tpu.memory_space<hbm>>, %arg4: memref<160000xi32, #tpu.memory_space<hbm>>, %arg5: memref<160000x128xf32, #tpu.memory_space<hbm>>, %arg6: memref<160000x128xf32, #tpu.memory_space<hbm>>, %arg7: memref<2x40xi32, #tpu.memory_space<vmem>>, %arg8: memref<2x40xi32, #tpu.memory_space<vmem>>, %arg9: memref<2x40x128xf32, #tpu.memory_space<vmem>>, %arg10: memref<2x40x128xf32, #tpu.memory_space<vmem>>, %arg11: memref<2x!tpu.dma_semaphore, #tpu.memory_space<semaphore_mem>>, %arg12: memref<2x!tpu.dma_semaphore, #tpu.memory_space<semaphore_mem>>, %arg13: memref<2x!tpu.dma_semaphore, #tpu.memory_space<semaphore_mem>>, %arg14: memref<2x!tpu.dma_semaphore, #tpu.memory_space<semaphore_mem>>) attributes {dimension_semantics = [#tpu.dimension_semantics<core_parallel>, #tpu.dimension_semantics<subcore_parallel>], iteration_bounds = array<i64: 2, 16>, scalar_prefetch = 0 : i64, scratch_operands = 8 : i64, tpu.core_type = #tpu.core_type<sc_vector_subcore>, window_params = [{transform_indices = #map}, {transform_indices = #map1}, {transform_indices = #map1}, {transform_indices = #map}, {transform_indices = #map}]} {
    %mul3A = arith.constant 2 : i32
    %mul3A_0 = arith.muli %arg1, %mul3A : i32
    %add3A = arith.addi %mul3A_0, %arg0 : i32
    %mul3A_1 = arith.constant 5000 : i32
    %mul3A_2 = arith.muli %add3A, %mul3A_1 : i32
    %add3A_3 = arith.constant 0 : i32
    %add3A_4 = arith.addi %mul3A_2, %add3A_3 : i32
    %run_scoped3A = arith.constant 0 : i32
    "tpu.region"() ({
      %run_scoped3A_269 = tpu.sem_alloc : memref<!tpu.dma_semaphore, #tpu.memory_space<semaphore_mem>>
      %dma_start3A_270 = arith.constant 0 : i32
      %dma_start3A_271 = tpu.memref_slice %arg7[%run_scoped3A, %dma_start3A_270] : memref<2x40xi32, #tpu.memory_space<vmem>> -> memref<1x40xi32, #tpu.memory_space<vmem>>
      %dma_start3A_272 = tpu.memref_squeeze %dma_start3A_271 : memref<1x40xi32, #tpu.memory_space<vmem>> -> memref<40xi32, #tpu.memory_space<vmem>>
      %dma_start3A_273 = tpu.memref_slice %arg3[%add3A_4] : memref<160000xi32, #tpu.memory_space<hbm>> -> memref<40xi32, #tpu.memory_space<hbm>>
      %dma_start3A_274 = arith.constant 0 : i32
      %dma_start3A_275 = tpu.memref_slice %arg7[%run_scoped3A, %dma_start3A_274] : memref<2x40xi32, #tpu.memory_space<vmem>> -> memref<1x40xi32, #tpu.memory_space<vmem>>
      %dma_start3A_276 = tpu.memref_squeeze %dma_start3A_275 : memref<1x40xi32, #tpu.memory_space<vmem>> -> memref<40xi32, #tpu.memory_space<vmem>>
      %dma_start3A_277 = tpu.memref_slice %arg3[%add3A_4] : memref<160000xi32, #tpu.memory_space<hbm>> -> memref<40xi32, #tpu.memory_space<hbm>>
      tpu.enqueue_dma source(%dma_start3A_277 : memref<40xi32, #tpu.memory_space<hbm>>) target(%dma_start3A_276 : memref<40xi32, #tpu.memory_space<vmem>>) target_semaphore(%run_scoped3A_269 : memref<!tpu.dma_semaphore, #tpu.memory_space<semaphore_mem>>)
      %dma_wait3A_278 = arith.constant 0 : i32
      %dma_wait3A_279 = tpu.memref_slice %arg7[%run_scoped3A, %dma_wait3A_278] : memref<2x40xi32, #tpu.memory_space<vmem>> -> memref<1x40xi32, #tpu.memory_space<vmem>>
      %dma_wait3A_280 = tpu.memref_squeeze %dma_wait3A_279 : memref<1x40xi32, #tpu.memory_space<vmem>> -> memref<40xi32, #tpu.memory_space<vmem>>
      %dma_wait3A_281 = tpu.memref_slice %arg3[%add3A_4] : memref<160000xi32, #tpu.memory_space<hbm>> -> memref<40xi32, #tpu.memory_space<hbm>>
      %dma_wait3A_282 = arith.constant 0 : i32
      %dma_wait3A_283 = tpu.memref_slice %arg7[%run_scoped3A, %dma_wait3A_282] : memref<2x40xi32, #tpu.memory_space<vmem>> -> memref<1x40xi32, #tpu.memory_space<vmem>>
      %dma_wait3A_284 = tpu.memref_squeeze %dma_wait3A_283 : memref<1x40xi32, #tpu.memory_space<vmem>> -> memref<40xi32, #tpu.memory_space<vmem>>
      %dma_wait3A_285 = tpu.memref_slice %arg3[%add3A_4] : memref<160000xi32, #tpu.memory_space<hbm>> -> memref<40xi32, #tpu.memory_space<hbm>>
      tpu.wait_dma2 semaphore(%run_scoped3A_269 : memref<!tpu.dma_semaphore, #tpu.memory_space<semaphore_mem>>) src(%dma_wait3A_285 : memref<40xi32, #tpu.memory_space<hbm>>) dst(%dma_wait3A_284 : memref<40xi32, #tpu.memory_space<vmem>>)
      tpu.yield
    }) : () -> ()
    %run_scoped3A_5 = arith.constant 0 : i32
    "tpu.region"() ({
      %run_scoped3A_269 = tpu.sem_alloc : memref<!tpu.dma_semaphore, #tpu.memory_space<semaphore_mem>>
      %dma_start3A_270 = arith.constant 0 : i32
      %dma_start3A_271 = tpu.memref_slice %arg8[%run_scoped3A_5, %dma_start3A_270] : memref<2x40xi32, #tpu.memory_space<vmem>> -> memref<1x40xi32, #tpu.memory_space<vmem>>
      %dma_start3A_272 = tpu.memref_squeeze %dma_start3A_271 : memref<1x40xi32, #tpu.memory_space<vmem>> -> memref<40xi32, #tpu.memory_space<vmem>>
      %dma_start3A_273 = tpu.memref_slice %arg4[%add3A_4] : memref<160000xi32, #tpu.memory_space<hbm>> -> memref<40xi32, #tpu.memory_space<hbm>>
      %dma_start3A_274 = arith.constant 0 : i32
      %dma_start3A_275 = tpu.memref_slice %arg8[%run_scoped3A_5, %dma_start3A_274] : memref<2x40xi32, #tpu.memory_space<vmem>> -> memref<1x40xi32, #tpu.memory_space<vmem>>
      %dma_start3A_276 = tpu.memref_squeeze %dma_start3A_275 : memref<1x40xi32, #tpu.memory_space<vmem>> -> memref<40xi32, #tpu.memory_space<vmem>>
      %dma_start3A_277 = tpu.memref_slice %arg4[%add3A_4] : memref<160000xi32, #tpu.memory_space<hbm>> -> memref<40xi32, #tpu.memory_space<hbm>>
      tpu.enqueue_dma source(%dma_start3A_277 : memref<40xi32, #tpu.memory_space<hbm>>) target(%dma_start3A_276 : memref<40xi32, #tpu.memory_space<vmem>>) target_semaphore(%run_scoped3A_269 : memref<!tpu.dma_semaphore, #tpu.memory_space<semaphore_mem>>)
      %dma_wait3A_278 = arith.constant 0 : i32
      %dma_wait3A_279 = tpu.memref_slice %arg8[%run_scoped3A_5, %dma_wait3A_278] : memref<2x40xi32, #tpu.memory_space<vmem>> -> memref<1x40xi32, #tpu.memory_space<vmem>>
      %dma_wait3A_280 = tpu.memref_squeeze %dma_wait3A_279 : memref<1x40xi32, #tpu.memory_space<vmem>> -> memref<40xi32, #tpu.memory_space<vmem>>
      %dma_wait3A_281 = tpu.memref_slice %arg4[%add3A_4] : memref<160000xi32, #tpu.memory_space<hbm>> -> memref<40xi32, #tpu.memory_space<hbm>>
      %dma_wait3A_282 = arith.constant 0 : i32
      %dma_wait3A_283 = tpu.memref_slice %arg8[%run_scoped3A_5, %dma_wait3A_282] : memref<2x40xi32, #tpu.memory_space<vmem>> -> memref<1x40xi32, #tpu.memory_space<vmem>>
      %dma_wait3A_284 = tpu.memref_squeeze %dma_wait3A_283 : memref<1x40xi32, #tpu.memory_space<vmem>> -> memref<40xi32, #tpu.memory_space<vmem>>
      %dma_wait3A_285 = tpu.memref_slice %arg4[%add3A_4] : memref<160000xi32, #tpu.memory_space<hbm>> -> memref<40xi32, #tpu.memory_space<hbm>>
      tpu.wait_dma2 semaphore(%run_scoped3A_269 : memref<!tpu.dma_semaphore, #tpu.memory_space<semaphore_mem>>) src(%dma_wait3A_285 : memref<40xi32, #tpu.memory_space<hbm>>) dst(%dma_wait3A_284 : memref<40xi32, #tpu.memory_space<vmem>>)
      tpu.yield
    }) : () -> ()
    %dma_start3A = arith.constant 0 : i32
    %dma_start3A_6 = arith.constant 0 : i32
    %dma_start3A_7 = arith.constant 0 : i32
    %dma_start3A_8 = arith.constant 0 : i32
    %dma_start3A_9 = arith.constant 0 : i32
    %dma_start3A_10 = tpu.memref_slice %arg9[%dma_start3A_6, %dma_start3A_8, %dma_start3A_9] : memref<2x40x128xf32, #tpu.memory_space<vmem>> -> memref<1x40x128xf32, #tpu.memory_space<vmem>>
    %dma_start3A_11 = tpu.memref_squeeze %dma_start3A_10 : memref<1x40x128xf32, #tpu.memory_space<vmem>> -> memref<40x128xf32, #tpu.memory_space<vmem>>
    %dma_start3A_12 = arith.constant 0 : i32
    %dma_start3A_13 = tpu.memref_slice %arg7[%dma_start3A, %dma_start3A_12] : memref<2x40xi32, #tpu.memory_space<vmem>> -> memref<1x40xi32, #tpu.memory_space<vmem>>
    %dma_start3A_14 = tpu.memref_squeeze %dma_start3A_13 : memref<1x40xi32, #tpu.memory_space<vmem>> -> memref<40xi32, #tpu.memory_space<vmem>>
    %dma_start3A_15 = arith.constant 0 : i32
    %dma_start3A_16 = arith.constant 0 : i32
    %dma_start3A_17 = tpu.memref_slice %arg2[%dma_start3A_15, %dma_start3A_16] : memref<10000x128xf32, #tpu.memory_space<hbm>> -> memref<10000x128xf32, #tpu.memory_space<hbm>>
    %dma_start3A_18 = tpu.memref_slice %arg11[%dma_start3A_7] : memref<2x!tpu.dma_semaphore, #tpu.memory_space<semaphore_mem>> -> memref<1x!tpu.dma_semaphore, #tpu.memory_space<semaphore_mem>>
    %dma_start3A_19 = tpu.memref_squeeze %dma_start3A_18 : memref<1x!tpu.dma_semaphore, #tpu.memory_space<semaphore_mem>> -> memref<!tpu.dma_semaphore, #tpu.memory_space<semaphore_mem>>
    tpu.enqueue_indirect_dma source(%dma_start3A_17 : memref<10000x128xf32, #tpu.memory_space<hbm>>) target(%dma_start3A_11 : memref<40x128xf32, #tpu.memory_space<vmem>>) offsets(%dma_start3A_14 : memref<40xi32, #tpu.memory_space<vmem>>) semaphore(%dma_start3A_19 : memref<!tpu.dma_semaphore, #tpu.memory_space<semaphore_mem>>)
    %dma_start3A_20 = arith.constant 0 : i32
    %dma_start3A_21 = arith.constant 0 : i32
    %dma_start3A_22 = arith.constant 0 : i32
    %dma_start3A_23 = arith.constant 0 : i32
    %dma_start3A_24 = arith.constant 0 : i32
    %dma_start3A_25 = tpu.memref_slice %arg10[%dma_start3A_21, %dma_start3A_23, %dma_start3A_24] : memref<2x40x128xf32, #tpu.memory_space<vmem>> -> memref<1x40x128xf32, #tpu.memory_space<vmem>>
    %dma_start3A_26 = tpu.memref_squeeze %dma_start3A_25 : memref<1x40x128xf32, #tpu.memory_space<vmem>> -> memref<40x128xf32, #tpu.memory_space<vmem>>
    %dma_start3A_27 = arith.constant 0 : i32
    %dma_start3A_28 = tpu.memref_slice %arg8[%dma_start3A_20, %dma_start3A_27] : memref<2x40xi32, #tpu.memory_space<vmem>> -> memref<1x40xi32, #tpu.memory_space<vmem>>
    %dma_start3A_29 = tpu.memref_squeeze %dma_start3A_28 : memref<1x40xi32, #tpu.memory_space<vmem>> -> memref<40xi32, #tpu.memory_space<vmem>>
    %dma_start3A_30 = arith.constant 0 : i32
    %dma_start3A_31 = arith.constant 0 : i32
    %dma_start3A_32 = tpu.memref_slice %arg2[%dma_start3A_30, %dma_start3A_31] : memref<10000x128xf32, #tpu.memory_space<hbm>> -> memref<10000x128xf32, #tpu.memory_space<hbm>>
    %dma_start3A_33 = tpu.memref_slice %arg12[%dma_start3A_22] : memref<2x!tpu.dma_semaphore, #tpu.memory_space<semaphore_mem>> -> memref<1x!tpu.dma_semaphore, #tpu.memory_space<semaphore_mem>>
    %dma_start3A_34 = tpu.memref_squeeze %dma_start3A_33 : memref<1x!tpu.dma_semaphore, #tpu.memory_space<semaphore_mem>> -> memref<!tpu.dma_semaphore, #tpu.memory_space<semaphore_mem>>
    tpu.enqueue_indirect_dma source(%dma_start3A_32 : memref<10000x128xf32, #tpu.memory_space<hbm>>) target(%dma_start3A_26 : memref<40x128xf32, #tpu.memory_space<vmem>>) offsets(%dma_start3A_29 : memref<40xi32, #tpu.memory_space<vmem>>) semaphore(%dma_start3A_34 : memref<!tpu.dma_semaphore, #tpu.memory_space<semaphore_mem>>)
    %add3A_35 = arith.constant 40 : i32
    %add3A_36 = arith.addi %mul3A_2, %add3A_35 : i32
    %run_scoped3A_37 = arith.constant 1 : i32
    "tpu.region"() ({
      %run_scoped3A_269 = tpu.sem_alloc : memref<!tpu.dma_semaphore, #tpu.memory_space<semaphore_mem>>
      %dma_start3A_270 = arith.constant 0 : i32
      %dma_start3A_271 = tpu.memref_slice %arg7[%run_scoped3A_37, %dma_start3A_270] : memref<2x40xi32, #tpu.memory_space<vmem>> -> memref<1x40xi32, #tpu.memory_space<vmem>>
      %dma_start3A_272 = tpu.memref_squeeze %dma_start3A_271 : memref<1x40xi32, #tpu.memory_space<vmem>> -> memref<40xi32, #tpu.memory_space<vmem>>
      %dma_start3A_273 = tpu.memref_slice %arg3[%add3A_36] : memref<160000xi32, #tpu.memory_space<hbm>> -> memref<40xi32, #tpu.memory_space<hbm>>
      %dma_start3A_274 = arith.constant 0 : i32
      %dma_start3A_275 = tpu.memref_slice %arg7[%run_scoped3A_37, %dma_start3A_274] : memref<2x40xi32, #tpu.memory_space<vmem>> -> memref<1x40xi32, #tpu.memory_space<vmem>>
      %dma_start3A_276 = tpu.memref_squeeze %dma_start3A_275 : memref<1x40xi32, #tpu.memory_space<vmem>> -> memref<40xi32, #tpu.memory_space<vmem>>
      %dma_start3A_277 = tpu.memref_slice %arg3[%add3A_36] : memref<160000xi32, #tpu.memory_space<hbm>> -> memref<40xi32, #tpu.memory_space<hbm>>
      tpu.enqueue_dma source(%dma_start3A_277 : memref<40xi32, #tpu.memory_space<hbm>>) target(%dma_start3A_276 : memref<40xi32, #tpu.memory_space<vmem>>) target_semaphore(%run_scoped3A_269 : memref<!tpu.dma_semaphore, #tpu.memory_space<semaphore_mem>>)
      %dma_wait3A_278 = arith.constant 0 : i32
      %dma_wait3A_279 = tpu.memref_slice %arg7[%run_scoped3A_37, %dma_wait3A_278] : memref<2x40xi32, #tpu.memory_space<vmem>> -> memref<1x40xi32, #tpu.memory_space<vmem>>
      %dma_wait3A_280 = tpu.memref_squeeze %dma_wait3A_279 : memref<1x40xi32, #tpu.memory_space<vmem>> -> memref<40xi32, #tpu.memory_space<vmem>>
      %dma_wait3A_281 = tpu.memref_slice %arg3[%add3A_36] : memref<160000xi32, #tpu.memory_space<hbm>> -> memref<40xi32, #tpu.memory_space<hbm>>
      %dma_wait3A_282 = arith.constant 0 : i32
      %dma_wait3A_283 = tpu.memref_slice %arg7[%run_scoped3A_37, %dma_wait3A_282] : memref<2x40xi32, #tpu.memory_space<vmem>> -> memref<1x40xi32, #tpu.memory_space<vmem>>
      %dma_wait3A_284 = tpu.memref_squeeze %dma_wait3A_283 : memref<1x40xi32, #tpu.memory_space<vmem>> -> memref<40xi32, #tpu.memory_space<vmem>>
      %dma_wait3A_285 = tpu.memref_slice %arg3[%add3A_36] : memref<160000xi32, #tpu.memory_space<hbm>> -> memref<40xi32, #tpu.memory_space<hbm>>
      tpu.wait_dma2 semaphore(%run_scoped3A_269 : memref<!tpu.dma_semaphore, #tpu.memory_space<semaphore_mem>>) src(%dma_wait3A_285 : memref<40xi32, #tpu.memory_space<hbm>>) dst(%dma_wait3A_284 : memref<40xi32, #tpu.memory_space<vmem>>)
      tpu.yield
    }) : () -> ()
    %run_scoped3A_38 = arith.constant 1 : i32
    "tpu.region"() ({
      %run_scoped3A_269 = tpu.sem_alloc : memref<!tpu.dma_semaphore, #tpu.memory_space<semaphore_mem>>
      %dma_start3A_270 = arith.constant 0 : i32
      %dma_start3A_271 = tpu.memref_slice %arg8[%run_scoped3A_38, %dma_start3A_270] : memref<2x40xi32, #tpu.memory_space<vmem>> -> memref<1x40xi32, #tpu.memory_space<vmem>>
      %dma_start3A_272 = tpu.memref_squeeze %dma_start3A_271 : memref<1x40xi32, #tpu.memory_space<vmem>> -> memref<40xi32, #tpu.memory_space<vmem>>
      %dma_start3A_273 = tpu.memref_slice %arg4[%add3A_36] : memref<160000xi32, #tpu.memory_space<hbm>> -> memref<40xi32, #tpu.memory_space<hbm>>
      %dma_start3A_274 = arith.constant 0 : i32
      %dma_start3A_275 = tpu.memref_slice %arg8[%run_scoped3A_38, %dma_start3A_274] : memref<2x40xi32, #tpu.memory_space<vmem>> -> memref<1x40xi32, #tpu.memory_space<vmem>>
      %dma_start3A_276 = tpu.memref_squeeze %dma_start3A_275 : memref<1x40xi32, #tpu.memory_space<vmem>> -> memref<40xi32, #tpu.memory_space<vmem>>
      %dma_start3A_277 = tpu.memref_slice %arg4[%add3A_36] : memref<160000xi32, #tpu.memory_space<hbm>> -> memref<40xi32, #tpu.memory_space<hbm>>
      tpu.enqueue_dma source(%dma_start3A_277 : memref<40xi32, #tpu.memory_space<hbm>>) target(%dma_start3A_276 : memref<40xi32, #tpu.memory_space<vmem>>) target_semaphore(%run_scoped3A_269 : memref<!tpu.dma_semaphore, #tpu.memory_space<semaphore_mem>>)
      %dma_wait3A_278 = arith.constant 0 : i32
      %dma_wait3A_279 = tpu.memref_slice %arg8[%run_scoped3A_38, %dma_wait3A_278] : memref<2x40xi32, #tpu.memory_space<vmem>> -> memref<1x40xi32, #tpu.memory_space<vmem>>
      %dma_wait3A_280 = tpu.memref_squeeze %dma_wait3A_279 : memref<1x40xi32, #tpu.memory_space<vmem>> -> memref<40xi32, #tpu.memory_space<vmem>>
      %dma_wait3A_281 = tpu.memref_slice %arg4[%add3A_36] : memref<160000xi32, #tpu.memory_space<hbm>> -> memref<40xi32, #tpu.memory_space<hbm>>
      %dma_wait3A_282 = arith.constant 0 : i32
      %dma_wait3A_283 = tpu.memref_slice %arg8[%run_scoped3A_38, %dma_wait3A_282] : memref<2x40xi32, #tpu.memory_space<vmem>> -> memref<1x40xi32, #tpu.memory_space<vmem>>
      %dma_wait3A_284 = tpu.memref_squeeze %dma_wait3A_283 : memref<1x40xi32, #tpu.memory_space<vmem>> -> memref<40xi32, #tpu.memory_space<vmem>>
      %dma_wait3A_285 = tpu.memref_slice %arg4[%add3A_36] : memref<160000xi32, #tpu.memory_space<hbm>> -> memref<40xi32, #tpu.memory_space<hbm>>
      tpu.wait_dma2 semaphore(%run_scoped3A_269 : memref<!tpu.dma_semaphore, #tpu.memory_space<semaphore_mem>>) src(%dma_wait3A_285 : memref<40xi32, #tpu.memory_space<hbm>>) dst(%dma_wait3A_284 : memref<40xi32, #tpu.memory_space<vmem>>)
      tpu.yield
    }) : () -> ()
    %dma_start3A_39 = arith.constant 1 : i32
    %dma_start3A_40 = arith.constant 1 : i32
    %dma_start3A_41 = arith.constant 1 : i32
    %dma_start3A_42 = arith.constant 0 : i32
    %dma_start3A_43 = arith.constant 0 : i32
    %dma_start3A_44 = tpu.memref_slice %arg9[%dma_start3A_40, %dma_start3A_42, %dma_start3A_43] : memref<2x40x128xf32, #tpu.memory_space<vmem>> -> memref<1x40x128xf32, #tpu.memory_space<vmem>>
    %dma_start3A_45 = tpu.memref_squeeze %dma_start3A_44 : memref<1x40x128xf32, #tpu.memory_space<vmem>> -> memref<40x128xf32, #tpu.memory_space<vmem>>
    %dma_start3A_46 = arith.constant 0 : i32
    %dma_start3A_47 = tpu.memref_slice %arg7[%dma_start3A_39, %dma_start3A_46] : memref<2x40xi32, #tpu.memory_space<vmem>> -> memref<1x40xi32, #tpu.memory_space<vmem>>
    %dma_start3A_48 = tpu.memref_squeeze %dma_start3A_47 : memref<1x40xi32, #tpu.memory_space<vmem>> -> memref<40xi32, #tpu.memory_space<vmem>>
    %dma_start3A_49 = arith.constant 0 : i32
    %dma_start3A_50 = arith.constant 0 : i32
    %dma_start3A_51 = tpu.memref_slice %arg2[%dma_start3A_49, %dma_start3A_50] : memref<10000x128xf32, #tpu.memory_space<hbm>> -> memref<10000x128xf32, #tpu.memory_space<hbm>>
    %dma_start3A_52 = tpu.memref_slice %arg11[%dma_start3A_41] : memref<2x!tpu.dma_semaphore, #tpu.memory_space<semaphore_mem>> -> memref<1x!tpu.dma_semaphore, #tpu.memory_space<semaphore_mem>>
    %dma_start3A_53 = tpu.memref_squeeze %dma_start3A_52 : memref<1x!tpu.dma_semaphore, #tpu.memory_space<semaphore_mem>> -> memref<!tpu.dma_semaphore, #tpu.memory_space<semaphore_mem>>
    tpu.enqueue_indirect_dma source(%dma_start3A_51 : memref<10000x128xf32, #tpu.memory_space<hbm>>) target(%dma_start3A_45 : memref<40x128xf32, #tpu.memory_space<vmem>>) offsets(%dma_start3A_48 : memref<40xi32, #tpu.memory_space<vmem>>) semaphore(%dma_start3A_53 : memref<!tpu.dma_semaphore, #tpu.memory_space<semaphore_mem>>)
    %dma_start3A_54 = arith.constant 1 : i32
    %dma_start3A_55 = arith.constant 1 : i32
    %dma_start3A_56 = arith.constant 1 : i32
    %dma_start3A_57 = arith.constant 0 : i32
    %dma_start3A_58 = arith.constant 0 : i32
    %dma_start3A_59 = tpu.memref_slice %arg10[%dma_start3A_55, %dma_start3A_57, %dma_start3A_58] : memref<2x40x128xf32, #tpu.memory_space<vmem>> -> memref<1x40x128xf32, #tpu.memory_space<vmem>>
    %dma_start3A_60 = tpu.memref_squeeze %dma_start3A_59 : memref<1x40x128xf32, #tpu.memory_space<vmem>> -> memref<40x128xf32, #tpu.memory_space<vmem>>
    %dma_start3A_61 = arith.constant 0 : i32
    %dma_start3A_62 = tpu.memref_slice %arg8[%dma_start3A_54, %dma_start3A_61] : memref<2x40xi32, #tpu.memory_space<vmem>> -> memref<1x40xi32, #tpu.memory_space<vmem>>
    %dma_start3A_63 = tpu.memref_squeeze %dma_start3A_62 : memref<1x40xi32, #tpu.memory_space<vmem>> -> memref<40xi32, #tpu.memory_space<vmem>>
    %dma_start3A_64 = arith.constant 0 : i32
    %dma_start3A_65 = arith.constant 0 : i32
    %dma_start3A_66 = tpu.memref_slice %arg2[%dma_start3A_64, %dma_start3A_65] : memref<10000x128xf32, #tpu.memory_space<hbm>> -> memref<10000x128xf32, #tpu.memory_space<hbm>>
    %dma_start3A_67 = tpu.memref_slice %arg12[%dma_start3A_56] : memref<2x!tpu.dma_semaphore, #tpu.memory_space<semaphore_mem>> -> memref<1x!tpu.dma_semaphore, #tpu.memory_space<semaphore_mem>>
    %dma_start3A_68 = tpu.memref_squeeze %dma_start3A_67 : memref<1x!tpu.dma_semaphore, #tpu.memory_space<semaphore_mem>> -> memref<!tpu.dma_semaphore, #tpu.memory_space<semaphore_mem>>
    tpu.enqueue_indirect_dma source(%dma_start3A_66 : memref<10000x128xf32, #tpu.memory_space<hbm>>) target(%dma_start3A_60 : memref<40x128xf32, #tpu.memory_space<vmem>>) offsets(%dma_start3A_63 : memref<40xi32, #tpu.memory_space<vmem>>) semaphore(%dma_start3A_68 : memref<!tpu.dma_semaphore, #tpu.memory_space<semaphore_mem>>)
    %dma_wait3A = arith.constant 0 : i32
    %dma_wait3A_69 = arith.constant 0 : i32
    %dma_wait3A_70 = arith.constant 0 : i32
    %dma_wait3A_71 = arith.constant 0 : i32
    %dma_wait3A_72 = arith.constant 0 : i32
    %dma_wait3A_73 = tpu.memref_slice %arg9[%dma_wait3A_69, %dma_wait3A_71, %dma_wait3A_72] : memref<2x40x128xf32, #tpu.memory_space<vmem>> -> memref<1x40x128xf32, #tpu.memory_space<vmem>>
    %dma_wait3A_74 = tpu.memref_squeeze %dma_wait3A_73 : memref<1x40x128xf32, #tpu.memory_space<vmem>> -> memref<40x128xf32, #tpu.memory_space<vmem>>
    %dma_wait3A_75 = arith.constant 0 : i32
    %dma_wait3A_76 = tpu.memref_slice %arg7[%dma_wait3A, %dma_wait3A_75] : memref<2x40xi32, #tpu.memory_space<vmem>> -> memref<1x40xi32, #tpu.memory_space<vmem>>
    %dma_wait3A_77 = tpu.memref_squeeze %dma_wait3A_76 : memref<1x40xi32, #tpu.memory_space<vmem>> -> memref<40xi32, #tpu.memory_space<vmem>>
    %dma_wait3A_78 = arith.constant 0 : i32
    %dma_wait3A_79 = arith.constant 0 : i32
    %dma_wait3A_80 = tpu.memref_slice %arg2[%dma_wait3A_78, %dma_wait3A_79] : memref<10000x128xf32, #tpu.memory_space<hbm>> -> memref<10000x128xf32, #tpu.memory_space<hbm>>
    %dma_wait3A_81 = tpu.memref_slice %arg11[%dma_wait3A_70] : memref<2x!tpu.dma_semaphore, #tpu.memory_space<semaphore_mem>> -> memref<1x!tpu.dma_semaphore, #tpu.memory_space<semaphore_mem>>
    %dma_wait3A_82 = tpu.memref_squeeze %dma_wait3A_81 : memref<1x!tpu.dma_semaphore, #tpu.memory_space<semaphore_mem>> -> memref<!tpu.dma_semaphore, #tpu.memory_space<semaphore_mem>>
    tpu.wait_indirect_dma semaphore(%dma_wait3A_82 : memref<!tpu.dma_semaphore, #tpu.memory_space<semaphore_mem>>) src(%dma_wait3A_80 : memref<10000x128xf32, #tpu.memory_space<hbm>>) dst(%dma_wait3A_74 : memref<40x128xf32, #tpu.memory_space<vmem>>)
    %dma_wait3A_83 = arith.constant 0 : i32
    %dma_wait3A_84 = arith.constant 0 : i32
    %dma_wait3A_85 = arith.constant 0 : i32
    %dma_wait3A_86 = arith.constant 0 : i32
    %dma_wait3A_87 = arith.constant 0 : i32
    %dma_wait3A_88 = tpu.memref_slice %arg10[%dma_wait3A_84, %dma_wait3A_86, %dma_wait3A_87] : memref<2x40x128xf32, #tpu.memory_space<vmem>> -> memref<1x40x128xf32, #tpu.memory_space<vmem>>
    %dma_wait3A_89 = tpu.memref_squeeze %dma_wait3A_88 : memref<1x40x128xf32, #tpu.memory_space<vmem>> -> memref<40x128xf32, #tpu.memory_space<vmem>>
    %dma_wait3A_90 = arith.constant 0 : i32
    %dma_wait3A_91 = tpu.memref_slice %arg8[%dma_wait3A_83, %dma_wait3A_90] : memref<2x40xi32, #tpu.memory_space<vmem>> -> memref<1x40xi32, #tpu.memory_space<vmem>>
    %dma_wait3A_92 = tpu.memref_squeeze %dma_wait3A_91 : memref<1x40xi32, #tpu.memory_space<vmem>> -> memref<40xi32, #tpu.memory_space<vmem>>
    %dma_wait3A_93 = arith.constant 0 : i32
    %dma_wait3A_94 = arith.constant 0 : i32
    %dma_wait3A_95 = tpu.memref_slice %arg2[%dma_wait3A_93, %dma_wait3A_94] : memref<10000x128xf32, #tpu.memory_space<hbm>> -> memref<10000x128xf32, #tpu.memory_space<hbm>>
    %dma_wait3A_96 = tpu.memref_slice %arg12[%dma_wait3A_85] : memref<2x!tpu.dma_semaphore, #tpu.memory_space<semaphore_mem>> -> memref<1x!tpu.dma_semaphore, #tpu.memory_space<semaphore_mem>>
    %dma_wait3A_97 = tpu.memref_squeeze %dma_wait3A_96 : memref<1x!tpu.dma_semaphore, #tpu.memory_space<semaphore_mem>> -> memref<!tpu.dma_semaphore, #tpu.memory_space<semaphore_mem>>
    tpu.wait_indirect_dma semaphore(%dma_wait3A_97 : memref<!tpu.dma_semaphore, #tpu.memory_space<semaphore_mem>>) src(%dma_wait3A_95 : memref<10000x128xf32, #tpu.memory_space<hbm>>) dst(%dma_wait3A_89 : memref<40x128xf32, #tpu.memory_space<vmem>>)
    %add3A_98 = arith.constant 0 : i32
    %add3A_99 = arith.addi %mul3A_2, %add3A_98 : i32
    %dma_start3A_100 = arith.constant 0 : i32
    %dma_start3A_101 = arith.constant 0 : i32
    %dma_start3A_102 = arith.constant 0 : i32
    %dma_start3A_103 = arith.constant 0 : i32
    %dma_start3A_104 = tpu.memref_slice %arg9[%dma_start3A_100, %dma_start3A_102, %dma_start3A_103] : memref<2x40x128xf32, #tpu.memory_space<vmem>> -> memref<1x40x128xf32, #tpu.memory_space<vmem>>
    %dma_start3A_105 = tpu.memref_squeeze %dma_start3A_104 : memref<1x40x128xf32, #tpu.memory_space<vmem>> -> memref<40x128xf32, #tpu.memory_space<vmem>>
    %dma_start3A_106 = arith.constant 0 : i32
    %dma_start3A_107 = tpu.memref_slice %arg5[%add3A_99, %dma_start3A_106] : memref<160000x128xf32, #tpu.memory_space<hbm>> -> memref<40x128xf32, #tpu.memory_space<hbm>>
    %dma_start3A_108 = tpu.memref_slice %arg13[%dma_start3A_101] : memref<2x!tpu.dma_semaphore, #tpu.memory_space<semaphore_mem>> -> memref<1x!tpu.dma_semaphore, #tpu.memory_space<semaphore_mem>>
    %dma_start3A_109 = tpu.memref_squeeze %dma_start3A_108 : memref<1x!tpu.dma_semaphore, #tpu.memory_space<semaphore_mem>> -> memref<!tpu.dma_semaphore, #tpu.memory_space<semaphore_mem>>
    %dma_start3A_110 = arith.constant 0 : i32
    %dma_start3A_111 = tpu.memref_slice %arg5[%add3A_99, %dma_start3A_110] : memref<160000x128xf32, #tpu.memory_space<hbm>> -> memref<40x128xf32, #tpu.memory_space<hbm>>
    %dma_start3A_112 = arith.constant 0 : i32
    %dma_start3A_113 = arith.constant 0 : i32
    %dma_start3A_114 = tpu.memref_slice %arg9[%dma_start3A_100, %dma_start3A_112, %dma_start3A_113] : memref<2x40x128xf32, #tpu.memory_space<vmem>> -> memref<1x40x128xf32, #tpu.memory_space<vmem>>
    %dma_start3A_115 = tpu.memref_squeeze %dma_start3A_114 : memref<1x40x128xf32, #tpu.memory_space<vmem>> -> memref<40x128xf32, #tpu.memory_space<vmem>>
    tpu.enqueue_dma source(%dma_start3A_115 : memref<40x128xf32, #tpu.memory_space<vmem>>) target(%dma_start3A_111 : memref<40x128xf32, #tpu.memory_space<hbm>>) target_semaphore(%dma_start3A_109 : memref<!tpu.dma_semaphore, #tpu.memory_space<semaphore_mem>>)
    %dma_start3A_116 = arith.constant 0 : i32
    %dma_start3A_117 = arith.constant 0 : i32
    %dma_start3A_118 = arith.constant 0 : i32
    %dma_start3A_119 = arith.constant 0 : i32
    %dma_start3A_120 = tpu.memref_slice %arg10[%dma_start3A_116, %dma_start3A_118, %dma_start3A_119] : memref<2x40x128xf32, #tpu.memory_space<vmem>> -> memref<1x40x128xf32, #tpu.memory_space<vmem>>
    %dma_start3A_121 = tpu.memref_squeeze %dma_start3A_120 : memref<1x40x128xf32, #tpu.memory_space<vmem>> -> memref<40x128xf32, #tpu.memory_space<vmem>>
    %dma_start3A_122 = arith.constant 0 : i32
    %dma_start3A_123 = tpu.memref_slice %arg6[%add3A_99, %dma_start3A_122] : memref<160000x128xf32, #tpu.memory_space<hbm>> -> memref<40x128xf32, #tpu.memory_space<hbm>>
    %dma_start3A_124 = tpu.memref_slice %arg14[%dma_start3A_117] : memref<2x!tpu.dma_semaphore, #tpu.memory_space<semaphore_mem>> -> memref<1x!tpu.dma_semaphore, #tpu.memory_space<semaphore_mem>>
    %dma_start3A_125 = tpu.memref_squeeze %dma_start3A_124 : memref<1x!tpu.dma_semaphore, #tpu.memory_space<semaphore_mem>> -> memref<!tpu.dma_semaphore, #tpu.memory_space<semaphore_mem>>
    %dma_start3A_126 = arith.constant 0 : i32
    %dma_start3A_127 = tpu.memref_slice %arg6[%add3A_99, %dma_start3A_126] : memref<160000x128xf32, #tpu.memory_space<hbm>> -> memref<40x128xf32, #tpu.memory_space<hbm>>
    %dma_start3A_128 = arith.constant 0 : i32
    %dma_start3A_129 = arith.constant 0 : i32
    %dma_start3A_130 = tpu.memref_slice %arg10[%dma_start3A_116, %dma_start3A_128, %dma_start3A_129] : memref<2x40x128xf32, #tpu.memory_space<vmem>> -> memref<1x40x128xf32, #tpu.memory_space<vmem>>
    %dma_start3A_131 = tpu.memref_squeeze %dma_start3A_130 : memref<1x40x128xf32, #tpu.memory_space<vmem>> -> memref<40x128xf32, #tpu.memory_space<vmem>>
    tpu.enqueue_dma source(%dma_start3A_131 : memref<40x128xf32, #tpu.memory_space<vmem>>) target(%dma_start3A_127 : memref<40x128xf32, #tpu.memory_space<hbm>>) target_semaphore(%dma_start3A_125 : memref<!tpu.dma_semaphore, #tpu.memory_space<semaphore_mem>>)
    %scan3A = arith.constant 0 : i32
    %scan3A_132 = arith.constant 2 : i32
    %scan3A_133 = arith.constant 123 : i32
    %scan3A_134 = arith.addi %scan3A_132, %scan3A_133 : i32
    %scan3A_135 = arith.constant 1 : i32
    scf.for %scan3A_269 = %scan3A_132 to %scan3A_134 step %scan3A_135  : i32 {
      %rem3A = arith.constant 2 : i32
      %rem3A_270 = arith.remsi %scan3A_269, %rem3A : i32
      %sub3A = arith.constant 1 : i32
      %sub3A_271 = arith.subi %sub3A, %rem3A_270 : i32
      %sub3A_272 = arith.constant 2 : i32
      %sub3A_273 = arith.subi %scan3A_269, %sub3A_272 : i32
      %mul3A_274 = arith.constant 40 : i32
      %mul3A_275 = arith.muli %sub3A_273, %mul3A_274 : i32
      %add3A_276 = arith.addi %mul3A_2, %mul3A_275 : i32
      %dma_wait3A_277 = arith.constant 0 : i32
      %dma_wait3A_278 = arith.constant 0 : i32
      %dma_wait3A_279 = tpu.memref_slice %arg9[%rem3A_270, %dma_wait3A_277, %dma_wait3A_278] : memref<2x40x128xf32, #tpu.memory_space<vmem>> -> memref<1x40x128xf32, #tpu.memory_space<vmem>>
      %dma_wait3A_280 = tpu.memref_squeeze %dma_wait3A_279 : memref<1x40x128xf32, #tpu.memory_space<vmem>> -> memref<40x128xf32, #tpu.memory_space<vmem>>
      %dma_wait3A_281 = arith.constant 0 : i32
      %dma_wait3A_282 = tpu.memref_slice %arg5[%add3A_276, %dma_wait3A_281] : memref<160000x128xf32, #tpu.memory_space<hbm>> -> memref<40x128xf32, #tpu.memory_space<hbm>>
      %dma_wait3A_283 = tpu.memref_slice %arg13[%rem3A_270] : memref<2x!tpu.dma_semaphore, #tpu.memory_space<semaphore_mem>> -> memref<1x!tpu.dma_semaphore, #tpu.memory_space<semaphore_mem>>
      %dma_wait3A_284 = tpu.memref_squeeze %dma_wait3A_283 : memref<1x!tpu.dma_semaphore, #tpu.memory_space<semaphore_mem>> -> memref<!tpu.dma_semaphore, #tpu.memory_space<semaphore_mem>>
      %dma_wait3A_285 = arith.constant 0 : i32
      %dma_wait3A_286 = tpu.memref_slice %arg5[%add3A_276, %dma_wait3A_285] : memref<160000x128xf32, #tpu.memory_space<hbm>> -> memref<40x128xf32, #tpu.memory_space<hbm>>
      %dma_wait3A_287 = arith.constant 0 : i32
      %dma_wait3A_288 = arith.constant 0 : i32
      %dma_wait3A_289 = tpu.memref_slice %arg9[%rem3A_270, %dma_wait3A_287, %dma_wait3A_288] : memref<2x40x128xf32, #tpu.memory_space<vmem>> -> memref<1x40x128xf32, #tpu.memory_space<vmem>>
      %dma_wait3A_290 = tpu.memref_squeeze %dma_wait3A_289 : memref<1x40x128xf32, #tpu.memory_space<vmem>> -> memref<40x128xf32, #tpu.memory_space<vmem>>
      tpu.wait_dma2 semaphore(%dma_wait3A_284 : memref<!tpu.dma_semaphore, #tpu.memory_space<semaphore_mem>>) src(%dma_wait3A_290 : memref<40x128xf32, #tpu.memory_space<vmem>>) dst(%dma_wait3A_286 : memref<40x128xf32, #tpu.memory_space<hbm>>)
      %dma_wait3A_291 = arith.constant 0 : i32
      %dma_wait3A_292 = arith.constant 0 : i32
      %dma_wait3A_293 = tpu.memref_slice %arg10[%rem3A_270, %dma_wait3A_291, %dma_wait3A_292] : memref<2x40x128xf32, #tpu.memory_space<vmem>> -> memref<1x40x128xf32, #tpu.memory_space<vmem>>
      %dma_wait3A_294 = tpu.memref_squeeze %dma_wait3A_293 : memref<1x40x128xf32, #tpu.memory_space<vmem>> -> memref<40x128xf32, #tpu.memory_space<vmem>>
      %dma_wait3A_295 = arith.constant 0 : i32
      %dma_wait3A_296 = tpu.memref_slice %arg6[%add3A_276, %dma_wait3A_295] : memref<160000x128xf32, #tpu.memory_space<hbm>> -> memref<40x128xf32, #tpu.memory_space<hbm>>
      %dma_wait3A_297 = tpu.memref_slice %arg14[%rem3A_270] : memref<2x!tpu.dma_semaphore, #tpu.memory_space<semaphore_mem>> -> memref<1x!tpu.dma_semaphore, #tpu.memory_space<semaphore_mem>>
      %dma_wait3A_298 = tpu.memref_squeeze %dma_wait3A_297 : memref<1x!tpu.dma_semaphore, #tpu.memory_space<semaphore_mem>> -> memref<!tpu.dma_semaphore, #tpu.memory_space<semaphore_mem>>
      %dma_wait3A_299 = arith.constant 0 : i32
      %dma_wait3A_300 = tpu.memref_slice %arg6[%add3A_276, %dma_wait3A_299] : memref<160000x128xf32, #tpu.memory_space<hbm>> -> memref<40x128xf32, #tpu.memory_space<hbm>>
      %dma_wait3A_301 = arith.constant 0 : i32
      %dma_wait3A_302 = arith.constant 0 : i32
      %dma_wait3A_303 = tpu.memref_slice %arg10[%rem3A_270, %dma_wait3A_301, %dma_wait3A_302] : memref<2x40x128xf32, #tpu.memory_space<vmem>> -> memref<1x40x128xf32, #tpu.memory_space<vmem>>
      %dma_wait3A_304 = tpu.memref_squeeze %dma_wait3A_303 : memref<1x40x128xf32, #tpu.memory_space<vmem>> -> memref<40x128xf32, #tpu.memory_space<vmem>>
      tpu.wait_dma2 semaphore(%dma_wait3A_298 : memref<!tpu.dma_semaphore, #tpu.memory_space<semaphore_mem>>) src(%dma_wait3A_304 : memref<40x128xf32, #tpu.memory_space<vmem>>) dst(%dma_wait3A_300 : memref<40x128xf32, #tpu.memory_space<hbm>>)
      %mul3A_305 = arith.constant 40 : i32
      %mul3A_306 = arith.muli %scan3A_269, %mul3A_305 : i32
      %add3A_307 = arith.addi %mul3A_2, %mul3A_306 : i32
      "tpu.region"() ({
        %run_scoped3A_389 = tpu.sem_alloc : memref<!tpu.dma_semaphore, #tpu.memory_space<semaphore_mem>>
        %dma_start3A_390 = arith.constant 0 : i32
        %dma_start3A_391 = tpu.memref_slice %arg7[%rem3A_270, %dma_start3A_390] : memref<2x40xi32, #tpu.memory_space<vmem>> -> memref<1x40xi32, #tpu.memory_space<vmem>>
        %dma_start3A_392 = tpu.memref_squeeze %dma_start3A_391 : memref<1x40xi32, #tpu.memory_space<vmem>> -> memref<40xi32, #tpu.memory_space<vmem>>
        %dma_start3A_393 = tpu.memref_slice %arg3[%add3A_307] : memref<160000xi32, #tpu.memory_space<hbm>> -> memref<40xi32, #tpu.memory_space<hbm>>
        %dma_start3A_394 = arith.constant 0 : i32
        %dma_start3A_395 = tpu.memref_slice %arg7[%rem3A_270, %dma_start3A_394] : memref<2x40xi32, #tpu.memory_space<vmem>> -> memref<1x40xi32, #tpu.memory_space<vmem>>
        %dma_start3A_396 = tpu.memref_squeeze %dma_start3A_395 : memref<1x40xi32, #tpu.memory_space<vmem>> -> memref<40xi32, #tpu.memory_space<vmem>>
        %dma_start3A_397 = tpu.memref_slice %arg3[%add3A_307] : memref<160000xi32, #tpu.memory_space<hbm>> -> memref<40xi32, #tpu.memory_space<hbm>>
        tpu.enqueue_dma source(%dma_start3A_397 : memref<40xi32, #tpu.memory_space<hbm>>) target(%dma_start3A_396 : memref<40xi32, #tpu.memory_space<vmem>>) target_semaphore(%run_scoped3A_389 : memref<!tpu.dma_semaphore, #tpu.memory_space<semaphore_mem>>)
        %dma_wait3A_398 = arith.constant 0 : i32
        %dma_wait3A_399 = tpu.memref_slice %arg7[%rem3A_270, %dma_wait3A_398] : memref<2x40xi32, #tpu.memory_space<vmem>> -> memref<1x40xi32, #tpu.memory_space<vmem>>
        %dma_wait3A_400 = tpu.memref_squeeze %dma_wait3A_399 : memref<1x40xi32, #tpu.memory_space<vmem>> -> memref<40xi32, #tpu.memory_space<vmem>>
        %dma_wait3A_401 = tpu.memref_slice %arg3[%add3A_307] : memref<160000xi32, #tpu.memory_space<hbm>> -> memref<40xi32, #tpu.memory_space<hbm>>
        %dma_wait3A_402 = arith.constant 0 : i32
        %dma_wait3A_403 = tpu.memref_slice %arg7[%rem3A_270, %dma_wait3A_402] : memref<2x40xi32, #tpu.memory_space<vmem>> -> memref<1x40xi32, #tpu.memory_space<vmem>>
        %dma_wait3A_404 = tpu.memref_squeeze %dma_wait3A_403 : memref<1x40xi32, #tpu.memory_space<vmem>> -> memref<40xi32, #tpu.memory_space<vmem>>
        %dma_wait3A_405 = tpu.memref_slice %arg3[%add3A_307] : memref<160000xi32, #tpu.memory_space<hbm>> -> memref<40xi32, #tpu.memory_space<hbm>>
        tpu.wait_dma2 semaphore(%run_scoped3A_389 : memref<!tpu.dma_semaphore, #tpu.memory_space<semaphore_mem>>) src(%dma_wait3A_405 : memref<40xi32, #tpu.memory_space<hbm>>) dst(%dma_wait3A_404 : memref<40xi32, #tpu.memory_space<vmem>>)
        tpu.yield
      }) : () -> ()
      "tpu.region"() ({
        %run_scoped3A_389 = tpu.sem_alloc : memref<!tpu.dma_semaphore, #tpu.memory_space<semaphore_mem>>
        %dma_start3A_390 = arith.constant 0 : i32
        %dma_start3A_391 = tpu.memref_slice %arg8[%rem3A_270, %dma_start3A_390] : memref<2x40xi32, #tpu.memory_space<vmem>> -> memref<1x40xi32, #tpu.memory_space<vmem>>
        %dma_start3A_392 = tpu.memref_squeeze %dma_start3A_391 : memref<1x40xi32, #tpu.memory_space<vmem>> -> memref<40xi32, #tpu.memory_space<vmem>>
        %dma_start3A_393 = tpu.memref_slice %arg4[%add3A_307] : memref<160000xi32, #tpu.memory_space<hbm>> -> memref<40xi32, #tpu.memory_space<hbm>>
        %dma_start3A_394 = arith.constant 0 : i32
        %dma_start3A_395 = tpu.memref_slice %arg8[%rem3A_270, %dma_start3A_394] : memref<2x40xi32, #tpu.memory_space<vmem>> -> memref<1x40xi32, #tpu.memory_space<vmem>>
        %dma_start3A_396 = tpu.memref_squeeze %dma_start3A_395 : memref<1x40xi32, #tpu.memory_space<vmem>> -> memref<40xi32, #tpu.memory_space<vmem>>
        %dma_start3A_397 = tpu.memref_slice %arg4[%add3A_307] : memref<160000xi32, #tpu.memory_space<hbm>> -> memref<40xi32, #tpu.memory_space<hbm>>
        tpu.enqueue_dma source(%dma_start3A_397 : memref<40xi32, #tpu.memory_space<hbm>>) target(%dma_start3A_396 : memref<40xi32, #tpu.memory_space<vmem>>) target_semaphore(%run_scoped3A_389 : memref<!tpu.dma_semaphore, #tpu.memory_space<semaphore_mem>>)
        %dma_wait3A_398 = arith.constant 0 : i32
        %dma_wait3A_399 = tpu.memref_slice %arg8[%rem3A_270, %dma_wait3A_398] : memref<2x40xi32, #tpu.memory_space<vmem>> -> memref<1x40xi32, #tpu.memory_space<vmem>>
        %dma_wait3A_400 = tpu.memref_squeeze %dma_wait3A_399 : memref<1x40xi32, #tpu.memory_space<vmem>> -> memref<40xi32, #tpu.memory_space<vmem>>
        %dma_wait3A_401 = tpu.memref_slice %arg4[%add3A_307] : memref<160000xi32, #tpu.memory_space<hbm>> -> memref<40xi32, #tpu.memory_space<hbm>>
        %dma_wait3A_402 = arith.constant 0 : i32
        %dma_wait3A_403 = tpu.memref_slice %arg8[%rem3A_270, %dma_wait3A_402] : memref<2x40xi32, #tpu.memory_space<vmem>> -> memref<1x40xi32, #tpu.memory_space<vmem>>
        %dma_wait3A_404 = tpu.memref_squeeze %dma_wait3A_403 : memref<1x40xi32, #tpu.memory_space<vmem>> -> memref<40xi32, #tpu.memory_space<vmem>>
        %dma_wait3A_405 = tpu.memref_slice %arg4[%add3A_307] : memref<160000xi32, #tpu.memory_space<hbm>> -> memref<40xi32, #tpu.memory_space<hbm>>
        tpu.wait_dma2 semaphore(%run_scoped3A_389 : memref<!tpu.dma_semaphore, #tpu.memory_space<semaphore_mem>>) src(%dma_wait3A_405 : memref<40xi32, #tpu.memory_space<hbm>>) dst(%dma_wait3A_404 : memref<40xi32, #tpu.memory_space<vmem>>)
        tpu.yield
      }) : () -> ()
      %dma_start3A_308 = arith.constant 0 : i32
      %dma_start3A_309 = arith.constant 0 : i32
      %dma_start3A_310 = tpu.memref_slice %arg9[%rem3A_270, %dma_start3A_308, %dma_start3A_309] : memref<2x40x128xf32, #tpu.memory_space<vmem>> -> memref<1x40x128xf32, #tpu.memory_space<vmem>>
      %dma_start3A_311 = tpu.memref_squeeze %dma_start3A_310 : memref<1x40x128xf32, #tpu.memory_space<vmem>> -> memref<40x128xf32, #tpu.memory_space<vmem>>
      %dma_start3A_312 = arith.constant 0 : i32
      %dma_start3A_313 = tpu.memref_slice %arg7[%rem3A_270, %dma_start3A_312] : memref<2x40xi32, #tpu.memory_space<vmem>> -> memref<1x40xi32, #tpu.memory_space<vmem>>
      %dma_start3A_314 = tpu.memref_squeeze %dma_start3A_313 : memref<1x40xi32, #tpu.memory_space<vmem>> -> memref<40xi32, #tpu.memory_space<vmem>>
      %dma_start3A_315 = arith.constant 0 : i32
      %dma_start3A_316 = arith.constant 0 : i32
      %dma_start3A_317 = tpu.memref_slice %arg2[%dma_start3A_315, %dma_start3A_316] : memref<10000x128xf32, #tpu.memory_space<hbm>> -> memref<10000x128xf32, #tpu.memory_space<hbm>>
      %dma_start3A_318 = tpu.memref_slice %arg11[%rem3A_270] : memref<2x!tpu.dma_semaphore, #tpu.memory_space<semaphore_mem>> -> memref<1x!tpu.dma_semaphore, #tpu.memory_space<semaphore_mem>>
      %dma_start3A_319 = tpu.memref_squeeze %dma_start3A_318 : memref<1x!tpu.dma_semaphore, #tpu.memory_space<semaphore_mem>> -> memref<!tpu.dma_semaphore, #tpu.memory_space<semaphore_mem>>
      tpu.enqueue_indirect_dma source(%dma_start3A_317 : memref<10000x128xf32, #tpu.memory_space<hbm>>) target(%dma_start3A_311 : memref<40x128xf32, #tpu.memory_space<vmem>>) offsets(%dma_start3A_314 : memref<40xi32, #tpu.memory_space<vmem>>) semaphore(%dma_start3A_319 : memref<!tpu.dma_semaphore, #tpu.memory_space<semaphore_mem>>)
      %dma_start3A_320 = arith.constant 0 : i32
      %dma_start3A_321 = arith.constant 0 : i32
      %dma_start3A_322 = tpu.memref_slice %arg10[%rem3A_270, %dma_start3A_320, %dma_start3A_321] : memref<2x40x128xf32, #tpu.memory_space<vmem>> -> memref<1x40x128xf32, #tpu.memory_space<vmem>>
      %dma_start3A_323 = tpu.memref_squeeze %dma_start3A_322 : memref<1x40x128xf32, #tpu.memory_space<vmem>> -> memref<40x128xf32, #tpu.memory_space<vmem>>
      %dma_start3A_324 = arith.constant 0 : i32
      %dma_start3A_325 = tpu.memref_slice %arg8[%rem3A_270, %dma_start3A_324] : memref<2x40xi32, #tpu.memory_space<vmem>> -> memref<1x40xi32, #tpu.memory_space<vmem>>
      %dma_start3A_326 = tpu.memref_squeeze %dma_start3A_325 : memref<1x40xi32, #tpu.memory_space<vmem>> -> memref<40xi32, #tpu.memory_space<vmem>>
      %dma_start3A_327 = arith.constant 0 : i32
      %dma_start3A_328 = arith.constant 0 : i32
      %dma_start3A_329 = tpu.memref_slice %arg2[%dma_start3A_327, %dma_start3A_328] : memref<10000x128xf32, #tpu.memory_space<hbm>> -> memref<10000x128xf32, #tpu.memory_space<hbm>>
      %dma_start3A_330 = tpu.memref_slice %arg12[%rem3A_270] : memref<2x!tpu.dma_semaphore, #tpu.memory_space<semaphore_mem>> -> memref<1x!tpu.dma_semaphore, #tpu.memory_space<semaphore_mem>>
      %dma_start3A_331 = tpu.memref_squeeze %dma_start3A_330 : memref<1x!tpu.dma_semaphore, #tpu.memory_space<semaphore_mem>> -> memref<!tpu.dma_semaphore, #tpu.memory_space<semaphore_mem>>
      tpu.enqueue_indirect_dma source(%dma_start3A_329 : memref<10000x128xf32, #tpu.memory_space<hbm>>) target(%dma_start3A_323 : memref<40x128xf32, #tpu.memory_space<vmem>>) offsets(%dma_start3A_326 : memref<40xi32, #tpu.memory_space<vmem>>) semaphore(%dma_start3A_331 : memref<!tpu.dma_semaphore, #tpu.memory_space<semaphore_mem>>)
      %dma_wait3A_332 = arith.constant 0 : i32
      %dma_wait3A_333 = arith.constant 0 : i32
      %dma_wait3A_334 = tpu.memref_slice %arg9[%sub3A_271, %dma_wait3A_332, %dma_wait3A_333] : memref<2x40x128xf32, #tpu.memory_space<vmem>> -> memref<1x40x128xf32, #tpu.memory_space<vmem>>
      %dma_wait3A_335 = tpu.memref_squeeze %dma_wait3A_334 : memref<1x40x128xf32, #tpu.memory_space<vmem>> -> memref<40x128xf32, #tpu.memory_space<vmem>>
      %dma_wait3A_336 = arith.constant 0 : i32
      %dma_wait3A_337 = tpu.memref_slice %arg7[%sub3A_271, %dma_wait3A_336] : memref<2x40xi32, #tpu.memory_space<vmem>> -> memref<1x40xi32, #tpu.memory_space<vmem>>
      %dma_wait3A_338 = tpu.memref_squeeze %dma_wait3A_337 : memref<1x40xi32, #tpu.memory_space<vmem>> -> memref<40xi32, #tpu.memory_space<vmem>>
      %dma_wait3A_339 = arith.constant 0 : i32
      %dma_wait3A_340 = arith.constant 0 : i32
      %dma_wait3A_341 = tpu.memref_slice %arg2[%dma_wait3A_339, %dma_wait3A_340] : memref<10000x128xf32, #tpu.memory_space<hbm>> -> memref<10000x128xf32, #tpu.memory_space<hbm>>
      %dma_wait3A_342 = tpu.memref_slice %arg11[%sub3A_271] : memref<2x!tpu.dma_semaphore, #tpu.memory_space<semaphore_mem>> -> memref<1x!tpu.dma_semaphore, #tpu.memory_space<semaphore_mem>>
      %dma_wait3A_343 = tpu.memref_squeeze %dma_wait3A_342 : memref<1x!tpu.dma_semaphore, #tpu.memory_space<semaphore_mem>> -> memref<!tpu.dma_semaphore, #tpu.memory_space<semaphore_mem>>
      tpu.wait_indirect_dma semaphore(%dma_wait3A_343 : memref<!tpu.dma_semaphore, #tpu.memory_space<semaphore_mem>>) src(%dma_wait3A_341 : memref<10000x128xf32, #tpu.memory_space<hbm>>) dst(%dma_wait3A_335 : memref<40x128xf32, #tpu.memory_space<vmem>>)
      %dma_wait3A_344 = arith.constant 0 : i32
      %dma_wait3A_345 = arith.constant 0 : i32
      %dma_wait3A_346 = tpu.memref_slice %arg10[%sub3A_271, %dma_wait3A_344, %dma_wait3A_345] : memref<2x40x128xf32, #tpu.memory_space<vmem>> -> memref<1x40x128xf32, #tpu.memory_space<vmem>>
      %dma_wait3A_347 = tpu.memref_squeeze %dma_wait3A_346 : memref<1x40x128xf32, #tpu.memory_space<vmem>> -> memref<40x128xf32, #tpu.memory_space<vmem>>
      %dma_wait3A_348 = arith.constant 0 : i32
      %dma_wait3A_349 = tpu.memref_slice %arg8[%sub3A_271, %dma_wait3A_348] : memref<2x40xi32, #tpu.memory_space<vmem>> -> memref<1x40xi32, #tpu.memory_space<vmem>>
      %dma_wait3A_350 = tpu.memref_squeeze %dma_wait3A_349 : memref<1x40xi32, #tpu.memory_space<vmem>> -> memref<40xi32, #tpu.memory_space<vmem>>
      %dma_wait3A_351 = arith.constant 0 : i32
      %dma_wait3A_352 = arith.constant 0 : i32
      %dma_wait3A_353 = tpu.memref_slice %arg2[%dma_wait3A_351, %dma_wait3A_352] : memref<10000x128xf32, #tpu.memory_space<hbm>> -> memref<10000x128xf32, #tpu.memory_space<hbm>>
      %dma_wait3A_354 = tpu.memref_slice %arg12[%sub3A_271] : memref<2x!tpu.dma_semaphore, #tpu.memory_space<semaphore_mem>> -> memref<1x!tpu.dma_semaphore, #tpu.memory_space<semaphore_mem>>
      %dma_wait3A_355 = tpu.memref_squeeze %dma_wait3A_354 : memref<1x!tpu.dma_semaphore, #tpu.memory_space<semaphore_mem>> -> memref<!tpu.dma_semaphore, #tpu.memory_space<semaphore_mem>>
      tpu.wait_indirect_dma semaphore(%dma_wait3A_355 : memref<!tpu.dma_semaphore, #tpu.memory_space<semaphore_mem>>) src(%dma_wait3A_353 : memref<10000x128xf32, #tpu.memory_space<hbm>>) dst(%dma_wait3A_347 : memref<40x128xf32, #tpu.memory_space<vmem>>)
      %sub3A_356 = arith.constant 1 : i32
      %sub3A_357 = arith.subi %scan3A_269, %sub3A_356 : i32
      %mul3A_358 = arith.constant 40 : i32
      %mul3A_359 = arith.muli %sub3A_357, %mul3A_358 : i32
      %add3A_360 = arith.addi %mul3A_2, %mul3A_359 : i32
      %dma_start3A_361 = arith.constant 0 : i32
      %dma_start3A_362 = arith.constant 0 : i32
      %dma_start3A_363 = tpu.memref_slice %arg9[%sub3A_271, %dma_start3A_361, %dma_start3A_362] : memref<2x40x128xf32, #tpu.memory_space<vmem>> -> memref<1x40x128xf32, #tpu.memory_space<vmem>>
      %dma_start3A_364 = tpu.memref_squeeze %dma_start3A_363 : memref<1x40x128xf32, #tpu.memory_space<vmem>> -> memref<40x128xf32, #tpu.memory_space<vmem>>
      %dma_start3A_365 = arith.constant 0 : i32
      %dma_start3A_366 = tpu.memref_slice %arg5[%add3A_360, %dma_start3A_365] : memref<160000x128xf32, #tpu.memory_space<hbm>> -> memref<40x128xf32, #tpu.memory_space<hbm>>
      %dma_start3A_367 = tpu.memref_slice %arg13[%sub3A_271] : memref<2x!tpu.dma_semaphore, #tpu.memory_space<semaphore_mem>> -> memref<1x!tpu.dma_semaphore, #tpu.memory_space<semaphore_mem>>
      %dma_start3A_368 = tpu.memref_squeeze %dma_start3A_367 : memref<1x!tpu.dma_semaphore, #tpu.memory_space<semaphore_mem>> -> memref<!tpu.dma_semaphore, #tpu.memory_space<semaphore_mem>>
      %dma_start3A_369 = arith.constant 0 : i32
      %dma_start3A_370 = tpu.memref_slice %arg5[%add3A_360, %dma_start3A_369] : memref<160000x128xf32, #tpu.memory_space<hbm>> -> memref<40x128xf32, #tpu.memory_space<hbm>>
      %dma_start3A_371 = arith.constant 0 : i32
      %dma_start3A_372 = arith.constant 0 : i32
      %dma_start3A_373 = tpu.memref_slice %arg9[%sub3A_271, %dma_start3A_371, %dma_start3A_372] : memref<2x40x128xf32, #tpu.memory_space<vmem>> -> memref<1x40x128xf32, #tpu.memory_space<vmem>>
      %dma_start3A_374 = tpu.memref_squeeze %dma_start3A_373 : memref<1x40x128xf32, #tpu.memory_space<vmem>> -> memref<40x128xf32, #tpu.memory_space<vmem>>
      tpu.enqueue_dma source(%dma_start3A_374 : memref<40x128xf32, #tpu.memory_space<vmem>>) target(%dma_start3A_370 : memref<40x128xf32, #tpu.memory_space<hbm>>) target_semaphore(%dma_start3A_368 : memref<!tpu.dma_semaphore, #tpu.memory_space<semaphore_mem>>)
      %dma_start3A_375 = arith.constant 0 : i32
      %dma_start3A_376 = arith.constant 0 : i32
      %dma_start3A_377 = tpu.memref_slice %arg10[%sub3A_271, %dma_start3A_375, %dma_start3A_376] : memref<2x40x128xf32, #tpu.memory_space<vmem>> -> memref<1x40x128xf32, #tpu.memory_space<vmem>>
      %dma_start3A_378 = tpu.memref_squeeze %dma_start3A_377 : memref<1x40x128xf32, #tpu.memory_space<vmem>> -> memref<40x128xf32, #tpu.memory_space<vmem>>
      %dma_start3A_379 = arith.constant 0 : i32
      %dma_start3A_380 = tpu.memref_slice %arg6[%add3A_360, %dma_start3A_379] : memref<160000x128xf32, #tpu.memory_space<hbm>> -> memref<40x128xf32, #tpu.memory_space<hbm>>
      %dma_start3A_381 = tpu.memref_slice %arg14[%sub3A_271] : memref<2x!tpu.dma_semaphore, #tpu.memory_space<semaphore_mem>> -> memref<1x!tpu.dma_semaphore, #tpu.memory_space<semaphore_mem>>
      %dma_start3A_382 = tpu.memref_squeeze %dma_start3A_381 : memref<1x!tpu.dma_semaphore, #tpu.memory_space<semaphore_mem>> -> memref<!tpu.dma_semaphore, #tpu.memory_space<semaphore_mem>>
      %dma_start3A_383 = arith.constant 0 : i32
      %dma_start3A_384 = tpu.memref_slice %arg6[%add3A_360, %dma_start3A_383] : memref<160000x128xf32, #tpu.memory_space<hbm>> -> memref<40x128xf32, #tpu.memory_space<hbm>>
      %dma_start3A_385 = arith.constant 0 : i32
      %dma_start3A_386 = arith.constant 0 : i32
      %dma_start3A_387 = tpu.memref_slice %arg10[%sub3A_271, %dma_start3A_385, %dma_start3A_386] : memref<2x40x128xf32, #tpu.memory_space<vmem>> -> memref<1x40x128xf32, #tpu.memory_space<vmem>>
      %dma_start3A_388 = tpu.memref_squeeze %dma_start3A_387 : memref<1x40x128xf32, #tpu.memory_space<vmem>> -> memref<40x128xf32, #tpu.memory_space<vmem>>
      tpu.enqueue_dma source(%dma_start3A_388 : memref<40x128xf32, #tpu.memory_space<vmem>>) target(%dma_start3A_384 : memref<40x128xf32, #tpu.memory_space<hbm>>) target_semaphore(%dma_start3A_382 : memref<!tpu.dma_semaphore, #tpu.memory_space<semaphore_mem>>)
    }
    %scan3A_136 = arith.constant 123 : i32
    %dma_wait3A_137 = arith.constant 0 : i32
    %dma_wait3A_138 = arith.constant 0 : i32
    %dma_wait3A_139 = arith.constant 0 : i32
    %dma_wait3A_140 = arith.constant 0 : i32
    %dma_wait3A_141 = arith.constant 0 : i32
    %dma_wait3A_142 = tpu.memref_slice %arg9[%dma_wait3A_138, %dma_wait3A_140, %dma_wait3A_141] : memref<2x40x128xf32, #tpu.memory_space<vmem>> -> memref<1x40x128xf32, #tpu.memory_space<vmem>>
    %dma_wait3A_143 = tpu.memref_squeeze %dma_wait3A_142 : memref<1x40x128xf32, #tpu.memory_space<vmem>> -> memref<40x128xf32, #tpu.memory_space<vmem>>
    %dma_wait3A_144 = arith.constant 0 : i32
    %dma_wait3A_145 = tpu.memref_slice %arg7[%dma_wait3A_137, %dma_wait3A_144] : memref<2x40xi32, #tpu.memory_space<vmem>> -> memref<1x40xi32, #tpu.memory_space<vmem>>
    %dma_wait3A_146 = tpu.memref_squeeze %dma_wait3A_145 : memref<1x40xi32, #tpu.memory_space<vmem>> -> memref<40xi32, #tpu.memory_space<vmem>>
    %dma_wait3A_147 = arith.constant 0 : i32
    %dma_wait3A_148 = arith.constant 0 : i32
    %dma_wait3A_149 = tpu.memref_slice %arg2[%dma_wait3A_147, %dma_wait3A_148] : memref<10000x128xf32, #tpu.memory_space<hbm>> -> memref<10000x128xf32, #tpu.memory_space<hbm>>
    %dma_wait3A_150 = tpu.memref_slice %arg11[%dma_wait3A_139] : memref<2x!tpu.dma_semaphore, #tpu.memory_space<semaphore_mem>> -> memref<1x!tpu.dma_semaphore, #tpu.memory_space<semaphore_mem>>
    %dma_wait3A_151 = tpu.memref_squeeze %dma_wait3A_150 : memref<1x!tpu.dma_semaphore, #tpu.memory_space<semaphore_mem>> -> memref<!tpu.dma_semaphore, #tpu.memory_space<semaphore_mem>>
    tpu.wait_indirect_dma semaphore(%dma_wait3A_151 : memref<!tpu.dma_semaphore, #tpu.memory_space<semaphore_mem>>) src(%dma_wait3A_149 : memref<10000x128xf32, #tpu.memory_space<hbm>>) dst(%dma_wait3A_143 : memref<40x128xf32, #tpu.memory_space<vmem>>)
    %dma_wait3A_152 = arith.constant 0 : i32
    %dma_wait3A_153 = arith.constant 0 : i32
    %dma_wait3A_154 = arith.constant 0 : i32
    %dma_wait3A_155 = arith.constant 0 : i32
    %dma_wait3A_156 = arith.constant 0 : i32
    %dma_wait3A_157 = tpu.memref_slice %arg10[%dma_wait3A_153, %dma_wait3A_155, %dma_wait3A_156] : memref<2x40x128xf32, #tpu.memory_space<vmem>> -> memref<1x40x128xf32, #tpu.memory_space<vmem>>
    %dma_wait3A_158 = tpu.memref_squeeze %dma_wait3A_157 : memref<1x40x128xf32, #tpu.memory_space<vmem>> -> memref<40x128xf32, #tpu.memory_space<vmem>>
    %dma_wait3A_159 = arith.constant 0 : i32
    %dma_wait3A_160 = tpu.memref_slice %arg8[%dma_wait3A_152, %dma_wait3A_159] : memref<2x40xi32, #tpu.memory_space<vmem>> -> memref<1x40xi32, #tpu.memory_space<vmem>>
    %dma_wait3A_161 = tpu.memref_squeeze %dma_wait3A_160 : memref<1x40xi32, #tpu.memory_space<vmem>> -> memref<40xi32, #tpu.memory_space<vmem>>
    %dma_wait3A_162 = arith.constant 0 : i32
    %dma_wait3A_163 = arith.constant 0 : i32
    %dma_wait3A_164 = tpu.memref_slice %arg2[%dma_wait3A_162, %dma_wait3A_163] : memref<10000x128xf32, #tpu.memory_space<hbm>> -> memref<10000x128xf32, #tpu.memory_space<hbm>>
    %dma_wait3A_165 = tpu.memref_slice %arg12[%dma_wait3A_154] : memref<2x!tpu.dma_semaphore, #tpu.memory_space<semaphore_mem>> -> memref<1x!tpu.dma_semaphore, #tpu.memory_space<semaphore_mem>>
    %dma_wait3A_166 = tpu.memref_squeeze %dma_wait3A_165 : memref<1x!tpu.dma_semaphore, #tpu.memory_space<semaphore_mem>> -> memref<!tpu.dma_semaphore, #tpu.memory_space<semaphore_mem>>
    tpu.wait_indirect_dma semaphore(%dma_wait3A_166 : memref<!tpu.dma_semaphore, #tpu.memory_space<semaphore_mem>>) src(%dma_wait3A_164 : memref<10000x128xf32, #tpu.memory_space<hbm>>) dst(%dma_wait3A_158 : memref<40x128xf32, #tpu.memory_space<vmem>>)
    %add3A_167 = arith.constant 4960 : i32
    %add3A_168 = arith.addi %mul3A_2, %add3A_167 : i32
    %dma_start3A_169 = arith.constant 0 : i32
    %dma_start3A_170 = arith.constant 0 : i32
    %dma_start3A_171 = arith.constant 0 : i32
    %dma_start3A_172 = arith.constant 0 : i32
    %dma_start3A_173 = tpu.memref_slice %arg9[%dma_start3A_169, %dma_start3A_171, %dma_start3A_172] : memref<2x40x128xf32, #tpu.memory_space<vmem>> -> memref<1x40x128xf32, #tpu.memory_space<vmem>>
    %dma_start3A_174 = tpu.memref_squeeze %dma_start3A_173 : memref<1x40x128xf32, #tpu.memory_space<vmem>> -> memref<40x128xf32, #tpu.memory_space<vmem>>
    %dma_start3A_175 = arith.constant 0 : i32
    %dma_start3A_176 = tpu.memref_slice %arg5[%add3A_168, %dma_start3A_175] : memref<160000x128xf32, #tpu.memory_space<hbm>> -> memref<40x128xf32, #tpu.memory_space<hbm>>
    %dma_start3A_177 = tpu.memref_slice %arg13[%dma_start3A_170] : memref<2x!tpu.dma_semaphore, #tpu.memory_space<semaphore_mem>> -> memref<1x!tpu.dma_semaphore, #tpu.memory_space<semaphore_mem>>
    %dma_start3A_178 = tpu.memref_squeeze %dma_start3A_177 : memref<1x!tpu.dma_semaphore, #tpu.memory_space<semaphore_mem>> -> memref<!tpu.dma_semaphore, #tpu.memory_space<semaphore_mem>>
    %dma_start3A_179 = arith.constant 0 : i32
    %dma_start3A_180 = tpu.memref_slice %arg5[%add3A_168, %dma_start3A_179] : memref<160000x128xf32, #tpu.memory_space<hbm>> -> memref<40x128xf32, #tpu.memory_space<hbm>>
    %dma_start3A_181 = arith.constant 0 : i32
    %dma_start3A_182 = arith.constant 0 : i32
    %dma_start3A_183 = tpu.memref_slice %arg9[%dma_start3A_169, %dma_start3A_181, %dma_start3A_182] : memref<2x40x128xf32, #tpu.memory_space<vmem>> -> memref<1x40x128xf32, #tpu.memory_space<vmem>>
    %dma_start3A_184 = tpu.memref_squeeze %dma_start3A_183 : memref<1x40x128xf32, #tpu.memory_space<vmem>> -> memref<40x128xf32, #tpu.memory_space<vmem>>
    tpu.enqueue_dma source(%dma_start3A_184 : memref<40x128xf32, #tpu.memory_space<vmem>>) target(%dma_start3A_180 : memref<40x128xf32, #tpu.memory_space<hbm>>) target_semaphore(%dma_start3A_178 : memref<!tpu.dma_semaphore, #tpu.memory_space<semaphore_mem>>)
    %dma_start3A_185 = arith.constant 0 : i32
    %dma_start3A_186 = arith.constant 0 : i32
    %dma_start3A_187 = arith.constant 0 : i32
    %dma_start3A_188 = arith.constant 0 : i32
    %dma_start3A_189 = tpu.memref_slice %arg10[%dma_start3A_185, %dma_start3A_187, %dma_start3A_188] : memref<2x40x128xf32, #tpu.memory_space<vmem>> -> memref<1x40x128xf32, #tpu.memory_space<vmem>>
    %dma_start3A_190 = tpu.memref_squeeze %dma_start3A_189 : memref<1x40x128xf32, #tpu.memory_space<vmem>> -> memref<40x128xf32, #tpu.memory_space<vmem>>
    %dma_start3A_191 = arith.constant 0 : i32
    %dma_start3A_192 = tpu.memref_slice %arg6[%add3A_168, %dma_start3A_191] : memref<160000x128xf32, #tpu.memory_space<hbm>> -> memref<40x128xf32, #tpu.memory_space<hbm>>
    %dma_start3A_193 = tpu.memref_slice %arg14[%dma_start3A_186] : memref<2x!tpu.dma_semaphore, #tpu.memory_space<semaphore_mem>> -> memref<1x!tpu.dma_semaphore, #tpu.memory_space<semaphore_mem>>
    %dma_start3A_194 = tpu.memref_squeeze %dma_start3A_193 : memref<1x!tpu.dma_semaphore, #tpu.memory_space<semaphore_mem>> -> memref<!tpu.dma_semaphore, #tpu.memory_space<semaphore_mem>>
    %dma_start3A_195 = arith.constant 0 : i32
    %dma_start3A_196 = tpu.memref_slice %arg6[%add3A_168, %dma_start3A_195] : memref<160000x128xf32, #tpu.memory_space<hbm>> -> memref<40x128xf32, #tpu.memory_space<hbm>>
    %dma_start3A_197 = arith.constant 0 : i32
    %dma_start3A_198 = arith.constant 0 : i32
    %dma_start3A_199 = tpu.memref_slice %arg10[%dma_start3A_185, %dma_start3A_197, %dma_start3A_198] : memref<2x40x128xf32, #tpu.memory_space<vmem>> -> memref<1x40x128xf32, #tpu.memory_space<vmem>>
    %dma_start3A_200 = tpu.memref_squeeze %dma_start3A_199 : memref<1x40x128xf32, #tpu.memory_space<vmem>> -> memref<40x128xf32, #tpu.memory_space<vmem>>
    tpu.enqueue_dma source(%dma_start3A_200 : memref<40x128xf32, #tpu.memory_space<vmem>>) target(%dma_start3A_196 : memref<40x128xf32, #tpu.memory_space<hbm>>) target_semaphore(%dma_start3A_194 : memref<!tpu.dma_semaphore, #tpu.memory_space<semaphore_mem>>)
    %add3A_201 = arith.constant 4920 : i32
    %add3A_202 = arith.addi %mul3A_2, %add3A_201 : i32
    %dma_wait3A_203 = arith.constant 1 : i32
    %dma_wait3A_204 = arith.constant 1 : i32
    %dma_wait3A_205 = arith.constant 0 : i32
    %dma_wait3A_206 = arith.constant 0 : i32
    %dma_wait3A_207 = tpu.memref_slice %arg9[%dma_wait3A_203, %dma_wait3A_205, %dma_wait3A_206] : memref<2x40x128xf32, #tpu.memory_space<vmem>> -> memref<1x40x128xf32, #tpu.memory_space<vmem>>
    %dma_wait3A_208 = tpu.memref_squeeze %dma_wait3A_207 : memref<1x40x128xf32, #tpu.memory_space<vmem>> -> memref<40x128xf32, #tpu.memory_space<vmem>>
    %dma_wait3A_209 = arith.constant 0 : i32
    %dma_wait3A_210 = tpu.memref_slice %arg5[%add3A_202, %dma_wait3A_209] : memref<160000x128xf32, #tpu.memory_space<hbm>> -> memref<40x128xf32, #tpu.memory_space<hbm>>
    %dma_wait3A_211 = tpu.memref_slice %arg13[%dma_wait3A_204] : memref<2x!tpu.dma_semaphore, #tpu.memory_space<semaphore_mem>> -> memref<1x!tpu.dma_semaphore, #tpu.memory_space<semaphore_mem>>
    %dma_wait3A_212 = tpu.memref_squeeze %dma_wait3A_211 : memref<1x!tpu.dma_semaphore, #tpu.memory_space<semaphore_mem>> -> memref<!tpu.dma_semaphore, #tpu.memory_space<semaphore_mem>>
    %dma_wait3A_213 = arith.constant 0 : i32
    %dma_wait3A_214 = tpu.memref_slice %arg5[%add3A_202, %dma_wait3A_213] : memref<160000x128xf32, #tpu.memory_space<hbm>> -> memref<40x128xf32, #tpu.memory_space<hbm>>
    %dma_wait3A_215 = arith.constant 0 : i32
    %dma_wait3A_216 = arith.constant 0 : i32
    %dma_wait3A_217 = tpu.memref_slice %arg9[%dma_wait3A_203, %dma_wait3A_215, %dma_wait3A_216] : memref<2x40x128xf32, #tpu.memory_space<vmem>> -> memref<1x40x128xf32, #tpu.memory_space<vmem>>
    %dma_wait3A_218 = tpu.memref_squeeze %dma_wait3A_217 : memref<1x40x128xf32, #tpu.memory_space<vmem>> -> memref<40x128xf32, #tpu.memory_space<vmem>>
    tpu.wait_dma2 semaphore(%dma_wait3A_212 : memref<!tpu.dma_semaphore, #tpu.memory_space<semaphore_mem>>) src(%dma_wait3A_218 : memref<40x128xf32, #tpu.memory_space<vmem>>) dst(%dma_wait3A_214 : memref<40x128xf32, #tpu.memory_space<hbm>>)
    %dma_wait3A_219 = arith.constant 1 : i32
    %dma_wait3A_220 = arith.constant 1 : i32
    %dma_wait3A_221 = arith.constant 0 : i32
    %dma_wait3A_222 = arith.constant 0 : i32
    %dma_wait3A_223 = tpu.memref_slice %arg10[%dma_wait3A_219, %dma_wait3A_221, %dma_wait3A_222] : memref<2x40x128xf32, #tpu.memory_space<vmem>> -> memref<1x40x128xf32, #tpu.memory_space<vmem>>
    %dma_wait3A_224 = tpu.memref_squeeze %dma_wait3A_223 : memref<1x40x128xf32, #tpu.memory_space<vmem>> -> memref<40x128xf32, #tpu.memory_space<vmem>>
    %dma_wait3A_225 = arith.constant 0 : i32
    %dma_wait3A_226 = tpu.memref_slice %arg6[%add3A_202, %dma_wait3A_225] : memref<160000x128xf32, #tpu.memory_space<hbm>> -> memref<40x128xf32, #tpu.memory_space<hbm>>
    %dma_wait3A_227 = tpu.memref_slice %arg14[%dma_wait3A_220] : memref<2x!tpu.dma_semaphore, #tpu.memory_space<semaphore_mem>> -> memref<1x!tpu.dma_semaphore, #tpu.memory_space<semaphore_mem>>
    %dma_wait3A_228 = tpu.memref_squeeze %dma_wait3A_227 : memref<1x!tpu.dma_semaphore, #tpu.memory_space<semaphore_mem>> -> memref<!tpu.dma_semaphore, #tpu.memory_space<semaphore_mem>>
    %dma_wait3A_229 = arith.constant 0 : i32
    %dma_wait3A_230 = tpu.memref_slice %arg6[%add3A_202, %dma_wait3A_229] : memref<160000x128xf32, #tpu.memory_space<hbm>> -> memref<40x128xf32, #tpu.memory_space<hbm>>
    %dma_wait3A_231 = arith.constant 0 : i32
    %dma_wait3A_232 = arith.constant 0 : i32
    %dma_wait3A_233 = tpu.memref_slice %arg10[%dma_wait3A_219, %dma_wait3A_231, %dma_wait3A_232] : memref<2x40x128xf32, #tpu.memory_space<vmem>> -> memref<1x40x128xf32, #tpu.memory_space<vmem>>
    %dma_wait3A_234 = tpu.memref_squeeze %dma_wait3A_233 : memref<1x40x128xf32, #tpu.memory_space<vmem>> -> memref<40x128xf32, #tpu.memory_space<vmem>>
    tpu.wait_dma2 semaphore(%dma_wait3A_228 : memref<!tpu.dma_semaphore, #tpu.memory_space<semaphore_mem>>) src(%dma_wait3A_234 : memref<40x128xf32, #tpu.memory_space<vmem>>) dst(%dma_wait3A_230 : memref<40x128xf32, #tpu.memory_space<hbm>>)
    %add3A_235 = arith.constant 4960 : i32
    %add3A_236 = arith.addi %mul3A_2, %add3A_235 : i32
    %dma_wait3A_237 = arith.constant 0 : i32
    %dma_wait3A_238 = arith.constant 0 : i32
    %dma_wait3A_239 = arith.constant 0 : i32
    %dma_wait3A_240 = arith.constant 0 : i32
    %dma_wait3A_241 = tpu.memref_slice %arg9[%dma_wait3A_237, %dma_wait3A_239, %dma_wait3A_240] : memref<2x40x128xf32, #tpu.memory_space<vmem>> -> memref<1x40x128xf32, #tpu.memory_space<vmem>>
    %dma_wait3A_242 = tpu.memref_squeeze %dma_wait3A_241 : memref<1x40x128xf32, #tpu.memory_space<vmem>> -> memref<40x128xf32, #tpu.memory_space<vmem>>
    %dma_wait3A_243 = arith.constant 0 : i32
    %dma_wait3A_244 = tpu.memref_slice %arg5[%add3A_236, %dma_wait3A_243] : memref<160000x128xf32, #tpu.memory_space<hbm>> -> memref<40x128xf32, #tpu.memory_space<hbm>>
    %dma_wait3A_245 = tpu.memref_slice %arg13[%dma_wait3A_238] : memref<2x!tpu.dma_semaphore, #tpu.memory_space<semaphore_mem>> -> memref<1x!tpu.dma_semaphore, #tpu.memory_space<semaphore_mem>>
    %dma_wait3A_246 = tpu.memref_squeeze %dma_wait3A_245 : memref<1x!tpu.dma_semaphore, #tpu.memory_space<semaphore_mem>> -> memref<!tpu.dma_semaphore, #tpu.memory_space<semaphore_mem>>
    %dma_wait3A_247 = arith.constant 0 : i32
    %dma_wait3A_248 = tpu.memref_slice %arg5[%add3A_236, %dma_wait3A_247] : memref<160000x128xf32, #tpu.memory_space<hbm>> -> memref<40x128xf32, #tpu.memory_space<hbm>>
    %dma_wait3A_249 = arith.constant 0 : i32
    %dma_wait3A_250 = arith.constant 0 : i32
    %dma_wait3A_251 = tpu.memref_slice %arg9[%dma_wait3A_237, %dma_wait3A_249, %dma_wait3A_250] : memref<2x40x128xf32, #tpu.memory_space<vmem>> -> memref<1x40x128xf32, #tpu.memory_space<vmem>>
    %dma_wait3A_252 = tpu.memref_squeeze %dma_wait3A_251 : memref<1x40x128xf32, #tpu.memory_space<vmem>> -> memref<40x128xf32, #tpu.memory_space<vmem>>
    tpu.wait_dma2 semaphore(%dma_wait3A_246 : memref<!tpu.dma_semaphore, #tpu.memory_space<semaphore_mem>>) src(%dma_wait3A_252 : memref<40x128xf32, #tpu.memory_space<vmem>>) dst(%dma_wait3A_248 : memref<40x128xf32, #tpu.memory_space<hbm>>)
    %dma_wait3A_253 = arith.constant 0 : i32
    %dma_wait3A_254 = arith.constant 0 : i32
    %dma_wait3A_255 = arith.constant 0 : i32
    %dma_wait3A_256 = arith.constant 0 : i32
    %dma_wait3A_257 = tpu.memref_slice %arg10[%dma_wait3A_253, %dma_wait3A_255, %dma_wait3A_256] : memref<2x40x128xf32, #tpu.memory_space<vmem>> -> memref<1x40x128xf32, #tpu.memory_space<vmem>>
    %dma_wait3A_258 = tpu.memref_squeeze %dma_wait3A_257 : memref<1x40x128xf32, #tpu.memory_space<vmem>> -> memref<40x128xf32, #tpu.memory_space<vmem>>
    %dma_wait3A_259 = arith.constant 0 : i32
    %dma_wait3A_260 = tpu.memref_slice %arg6[%add3A_236, %dma_wait3A_259] : memref<160000x128xf32, #tpu.memory_space<hbm>> -> memref<40x128xf32, #tpu.memory_space<hbm>>
    %dma_wait3A_261 = tpu.memref_slice %arg14[%dma_wait3A_254] : memref<2x!tpu.dma_semaphore, #tpu.memory_space<semaphore_mem>> -> memref<1x!tpu.dma_semaphore, #tpu.memory_space<semaphore_mem>>
    %dma_wait3A_262 = tpu.memref_squeeze %dma_wait3A_261 : memref<1x!tpu.dma_semaphore, #tpu.memory_space<semaphore_mem>> -> memref<!tpu.dma_semaphore, #tpu.memory_space<semaphore_mem>>
    %dma_wait3A_263 = arith.constant 0 : i32
    %dma_wait3A_264 = tpu.memref_slice %arg6[%add3A_236, %dma_wait3A_263] : memref<160000x128xf32, #tpu.memory_space<hbm>> -> memref<40x128xf32, #tpu.memory_space<hbm>>
    %dma_wait3A_265 = arith.constant 0 : i32
    %dma_wait3A_266 = arith.constant 0 : i32
    %dma_wait3A_267 = tpu.memref_slice %arg10[%dma_wait3A_253, %dma_wait3A_265, %dma_wait3A_266] : memref<2x40x128xf32, #tpu.memory_space<vmem>> -> memref<1x40x128xf32, #tpu.memory_space<vmem>>
    %dma_wait3A_268 = tpu.memref_squeeze %dma_wait3A_267 : memref<1x40x128xf32, #tpu.memory_space<vmem>> -> memref<40x128xf32, #tpu.memory_space<vmem>>
    tpu.wait_dma2 semaphore(%dma_wait3A_262 : memref<!tpu.dma_semaphore, #tpu.memory_space<semaphore_mem>>) src(%dma_wait3A_268 : memref<40x128xf32, #tpu.memory_space<vmem>>) dst(%dma_wait3A_264 : memref<40x128xf32, #tpu.memory_space<hbm>>)
    return
  }
}

module attributes {stable_mosaic.version = 14 : i64} {
  func.func @_edge_mlp_body(%arg0: i32, %arg1: memref<1600x128xf32, #tpu.memory_space<vmem>>, %arg2: memref<1600x128xf32, #tpu.memory_space<vmem>>, %arg3: memref<1600x256xf32, #tpu.memory_space<vmem>>, %arg4: memref<768x256xbf16, #tpu.memory_space<vmem>>, %arg5: memref<1x256xf32, #tpu.memory_space<vmem>>, %arg6: memref<256x256xbf16, #tpu.memory_space<vmem>>, %arg7: memref<1x256xf32, #tpu.memory_space<vmem>>, %arg8: memref<256x256xbf16, #tpu.memory_space<vmem>>, %arg9: memref<1x256xf32, #tpu.memory_space<vmem>>, %arg10: memref<1x256xf32, #tpu.memory_space<vmem>>, %arg11: memref<1x256xf32, #tpu.memory_space<vmem>>, %arg12: memref<1600x256xf32, #tpu.memory_space<vmem>>, %arg13: memref<1600x256xf32, #tpu.memory_space<vmem>>) attributes {dimension_semantics = [#tpu.dimension_semantics<arbitrary>], iteration_bounds = array<i64: 100>, scalar_prefetch = 0 : i64, scratch_operands = 0 : i64, tpu.core_type = #tpu.core_type<tc>, window_params = [{transform_indices = @transform_0, window_bounds = array<i64: 1600, 128>}, {transform_indices = @transform_1, window_bounds = array<i64: 1600, 128>}, {transform_indices = @transform_2, window_bounds = array<i64: 1600, 256>}, {pipeline_mode = #tpu.pipeline_mode<synchronous>, transform_indices = @transform_3, window_bounds = array<i64: 768, 256>}, {pipeline_mode = #tpu.pipeline_mode<synchronous>, transform_indices = @transform_4, window_bounds = array<i64: 1, 256>}, {pipeline_mode = #tpu.pipeline_mode<synchronous>, transform_indices = @transform_5, window_bounds = array<i64: 256, 256>}, {pipeline_mode = #tpu.pipeline_mode<synchronous>, transform_indices = @transform_6, window_bounds = array<i64: 1, 256>}, {pipeline_mode = #tpu.pipeline_mode<synchronous>, transform_indices = @transform_7, window_bounds = array<i64: 256, 256>}, {pipeline_mode = #tpu.pipeline_mode<synchronous>, transform_indices = @transform_8, window_bounds = array<i64: 1, 256>}, {pipeline_mode = #tpu.pipeline_mode<synchronous>, transform_indices = @transform_9, window_bounds = array<i64: 1, 256>}, {pipeline_mode = #tpu.pipeline_mode<synchronous>, transform_indices = @transform_10, window_bounds = array<i64: 1, 256>}, {transform_indices = @transform_11, window_bounds = array<i64: 1600, 256>}, {transform_indices = @transform_12, window_bounds = array<i64: 1600, 256>}]} {
    %get3A = arith.constant 0 : index
    %get3A_0 = arith.constant 0 : index
    %get3A_1 = vector.load %arg1[%get3A, %get3A_0] : memref<1600x128xf32, #tpu.memory_space<vmem>>, vector<1600x128xf32>
    %bitcast_convert_type3A = tpu.bitcast %get3A_1 : vector<1600x128xf32> -> vector<1600x128xi32>
    %shift_left3A = arith.constant 16 : i32
    %shift_left3A_2 = vector.broadcast %shift_left3A : i32 to vector<1600x128xi32>
    %shift_left3A_3 = arith.shli %bitcast_convert_type3A, %shift_left3A_2 : vector<1600x128xi32>
    %bitcast_convert_type3A_4 = tpu.bitcast %shift_left3A_3 : vector<1600x128xi32> -> vector<1600x128xf32>
    %and3A = arith.constant -65536 : i32
    %and3A_5 = vector.broadcast %and3A : i32 to vector<1600x128xi32>
    %and3A_6 = arith.andi %bitcast_convert_type3A, %and3A_5 : vector<1600x128xi32>
    %bitcast_convert_type3A_7 = tpu.bitcast %and3A_6 : vector<1600x128xi32> -> vector<1600x128xf32>
    %convert_element_type3A = arith.truncf %bitcast_convert_type3A_4 : vector<1600x128xf32> to vector<1600x128xbf16>
    %convert_element_type3A_8 = arith.truncf %bitcast_convert_type3A_7 : vector<1600x128xf32> to vector<1600x128xbf16>
    %get3A_9 = arith.constant 0 : index
    %get3A_10 = arith.constant 0 : index
    %get3A_11 = vector.load %arg2[%get3A_9, %get3A_10] : memref<1600x128xf32, #tpu.memory_space<vmem>>, vector<1600x128xf32>
    %bitcast_convert_type3A_12 = tpu.bitcast %get3A_11 : vector<1600x128xf32> -> vector<1600x128xi32>
    %shift_left3A_13 = arith.constant 16 : i32
    %shift_left3A_14 = vector.broadcast %shift_left3A_13 : i32 to vector<1600x128xi32>
    %shift_left3A_15 = arith.shli %bitcast_convert_type3A_12, %shift_left3A_14 : vector<1600x128xi32>
    %bitcast_convert_type3A_16 = tpu.bitcast %shift_left3A_15 : vector<1600x128xi32> -> vector<1600x128xf32>
    %and3A_17 = arith.constant -65536 : i32
    %and3A_18 = vector.broadcast %and3A_17 : i32 to vector<1600x128xi32>
    %and3A_19 = arith.andi %bitcast_convert_type3A_12, %and3A_18 : vector<1600x128xi32>
    %bitcast_convert_type3A_20 = tpu.bitcast %and3A_19 : vector<1600x128xi32> -> vector<1600x128xf32>
    %convert_element_type3A_21 = arith.truncf %bitcast_convert_type3A_16 : vector<1600x128xf32> to vector<1600x128xbf16>
    %convert_element_type3A_22 = arith.truncf %bitcast_convert_type3A_20 : vector<1600x128xf32> to vector<1600x128xbf16>
    %get3A_23 = arith.constant 0 : index
    %get3A_24 = arith.constant 0 : index
    %get3A_25 = vector.load %arg3[%get3A_23, %get3A_24] : memref<1600x256xf32, #tpu.memory_space<vmem>>, vector<1600x256xf32>
    %convert_element_type3A_26 = arith.truncf %get3A_25 : vector<1600x256xf32> to vector<1600x256xbf16>
    %concatenate3A = tpu.concatenate %convert_element_type3A, %convert_element_type3A_8, %convert_element_type3A_21, %convert_element_type3A_22, %convert_element_type3A_26 in 1 : vector<1600x128xbf16>, vector<1600x128xbf16>, vector<1600x128xbf16>, vector<1600x128xbf16>, vector<1600x256xbf16> -> vector<1600x768xbf16>
    %get3A_27 = arith.constant 0 : index
    %get3A_28 = arith.constant 0 : index
    %get3A_29 = vector.load %arg4[%get3A_27, %get3A_28] : memref<768x256xbf16, #tpu.memory_space<vmem>>, vector<768x256xbf16>
    %dot_general3A = arith.constant dense<0.000000e+00> : vector<1600x256xf32>
    %dot_general3A_30 = tpu.matmul %concatenate3A, %get3A_29, %dot_general3A {dimension_numbers = #tpu.dot_dimension_numbers<[1], [0], [0], [1], [0, 0, 1, 1], [], []>, transpose_lhs_hint = false} : vector<1600x768xbf16>, vector<768x256xbf16>, vector<1600x256xf32> -> vector<1600x256xf32>
    %get3A_31 = arith.constant 0 : index
    %get3A_32 = arith.constant 0 : index
    %get3A_33 = vector.load %arg5[%get3A_31, %get3A_32] : memref<1x256xf32, #tpu.memory_space<vmem>>, vector<1x256xf32>
    %add3A = vector.broadcast %get3A_33 : vector<1x256xf32> to vector<1600x256xf32>
    %add3A_34 = arith.addf %dot_general3A_30, %add3A : vector<1600x256xf32>
    %max3A = arith.constant 0.000000e+00 : f32
    %max3A_35 = vector.broadcast %max3A : f32 to vector<1600x256xf32>
    %max3A_36 = arith.maximumf %add3A_34, %max3A_35 : vector<1600x256xf32>
    %convert_element_type3A_37 = arith.truncf %max3A_36 : vector<1600x256xf32> to vector<1600x256xbf16>
    %get3A_38 = arith.constant 0 : index
    %get3A_39 = arith.constant 0 : index
    %get3A_40 = vector.load %arg6[%get3A_38, %get3A_39] : memref<256x256xbf16, #tpu.memory_space<vmem>>, vector<256x256xbf16>
    %dot_general3A_41 = arith.constant dense<0.000000e+00> : vector<1600x256xf32>
    %dot_general3A_42 = tpu.matmul %convert_element_type3A_37, %get3A_40, %dot_general3A_41 {dimension_numbers = #tpu.dot_dimension_numbers<[1], [0], [0], [1], [0, 0, 1, 1], [], []>, transpose_lhs_hint = false} : vector<1600x256xbf16>, vector<256x256xbf16>, vector<1600x256xf32> -> vector<1600x256xf32>
    %get3A_43 = arith.constant 0 : index
    %get3A_44 = arith.constant 0 : index
    %get3A_45 = vector.load %arg7[%get3A_43, %get3A_44] : memref<1x256xf32, #tpu.memory_space<vmem>>, vector<1x256xf32>
    %add3A_46 = vector.broadcast %get3A_45 : vector<1x256xf32> to vector<1600x256xf32>
    %add3A_47 = arith.addf %dot_general3A_42, %add3A_46 : vector<1600x256xf32>
    %max3A_48 = arith.constant 0.000000e+00 : f32
    %max3A_49 = vector.broadcast %max3A_48 : f32 to vector<1600x256xf32>
    %max3A_50 = arith.maximumf %add3A_47, %max3A_49 : vector<1600x256xf32>
    %convert_element_type3A_51 = arith.truncf %max3A_50 : vector<1600x256xf32> to vector<1600x256xbf16>
    %get3A_52 = arith.constant 0 : index
    %get3A_53 = arith.constant 0 : index
    %get3A_54 = vector.load %arg8[%get3A_52, %get3A_53] : memref<256x256xbf16, #tpu.memory_space<vmem>>, vector<256x256xbf16>
    %dot_general3A_55 = arith.constant dense<0.000000e+00> : vector<1600x256xf32>
    %dot_general3A_56 = tpu.matmul %convert_element_type3A_51, %get3A_54, %dot_general3A_55 {dimension_numbers = #tpu.dot_dimension_numbers<[1], [0], [0], [1], [0, 0, 1, 1], [], []>, transpose_lhs_hint = false} : vector<1600x256xbf16>, vector<256x256xbf16>, vector<1600x256xf32> -> vector<1600x256xf32>
    %get3A_57 = arith.constant 0 : index
    %get3A_58 = arith.constant 0 : index
    %get3A_59 = vector.load %arg9[%get3A_57, %get3A_58] : memref<1x256xf32, #tpu.memory_space<vmem>>, vector<1x256xf32>
    %add3A_60 = vector.broadcast %get3A_59 : vector<1x256xf32> to vector<1600x256xf32>
    %add3A_61 = arith.addf %dot_general3A_56, %add3A_60 : vector<1600x256xf32>
    %reduce_sum3A = arith.constant dense<0.000000e+00> : vector<1600xf32>
    %reduce_sum3A_62 = vector.multi_reduction <add>, %add3A_61, %reduce_sum3A [1] : vector<1600x256xf32> to vector<1600xf32>
    %broadcast_in_dim3A = vector.shape_cast %reduce_sum3A_62 : vector<1600xf32> to vector<1600x1xf32>
    %div3A = arith.constant 2.560000e+02 : f32
    %div3A_63 = vector.broadcast %div3A : f32 to vector<1600x1xf32>
    %div3A_64 = arith.divf %broadcast_in_dim3A, %div3A_63 : vector<1600x1xf32>
    %sub3A = vector.broadcast %div3A_64 : vector<1600x1xf32> to vector<1600x256xf32>
    %sub3A_65 = arith.subf %add3A_61, %sub3A : vector<1600x256xf32>
    %mul3A = arith.mulf %sub3A_65, %sub3A_65 : vector<1600x256xf32>
    %reduce_sum3A_66 = arith.constant dense<0.000000e+00> : vector<1600xf32>
    %reduce_sum3A_67 = vector.multi_reduction <add>, %mul3A, %reduce_sum3A_66 [1] : vector<1600x256xf32> to vector<1600xf32>
    %broadcast_in_dim3A_68 = vector.shape_cast %reduce_sum3A_67 : vector<1600xf32> to vector<1600x1xf32>
    %div3A_69 = arith.constant 2.560000e+02 : f32
    %div3A_70 = vector.broadcast %div3A_69 : f32 to vector<1600x1xf32>
    %div3A_71 = arith.divf %broadcast_in_dim3A_68, %div3A_70 : vector<1600x1xf32>
    %add3A_72 = arith.constant 9.99999974E-6 : f32
    %add3A_73 = vector.broadcast %add3A_72 : f32 to vector<1600x1xf32>
    %add3A_74 = arith.addf %div3A_71, %add3A_73 : vector<1600x1xf32>
    %rsqrt3A = math.rsqrt %add3A_74 : vector<1600x1xf32>
    %mul3A_75 = vector.broadcast %rsqrt3A : vector<1600x1xf32> to vector<1600x256xf32>
    %mul3A_76 = arith.mulf %sub3A_65, %mul3A_75 : vector<1600x256xf32>
    %get3A_77 = arith.constant 0 : index
    %get3A_78 = arith.constant 0 : index
    %get3A_79 = vector.load %arg10[%get3A_77, %get3A_78] : memref<1x256xf32, #tpu.memory_space<vmem>>, vector<1x256xf32>
    %mul3A_80 = vector.broadcast %get3A_79 : vector<1x256xf32> to vector<1600x256xf32>
    %mul3A_81 = arith.mulf %mul3A_76, %mul3A_80 : vector<1600x256xf32>
    %get3A_82 = arith.constant 0 : index
    %get3A_83 = arith.constant 0 : index
    %get3A_84 = vector.load %arg11[%get3A_82, %get3A_83] : memref<1x256xf32, #tpu.memory_space<vmem>>, vector<1x256xf32>
    %add3A_85 = vector.broadcast %get3A_84 : vector<1x256xf32> to vector<1600x256xf32>
    %add3A_86 = arith.addf %mul3A_81, %add3A_85 : vector<1600x256xf32>
    %swap3A = arith.constant 0 : index
    %swap3A_87 = arith.constant 0 : index
    %swap3A_88 = vector.load %arg12[%swap3A, %swap3A_87] : memref<1600x256xf32, #tpu.memory_space<vmem>>, vector<1600x256xf32>
    tpu.vector_store %arg12[%swap3A, %swap3A_87], %add3A_86 {strides = array<i32>} : memref<1600x256xf32, #tpu.memory_space<vmem>>, vector<1600x256xf32>,
    %get3A_89 = arith.constant 0 : index
    %get3A_90 = arith.constant 0 : index
    %get3A_91 = vector.load %arg3[%get3A_89, %get3A_90] : memref<1600x256xf32, #tpu.memory_space<vmem>>, vector<1600x256xf32>
    %add3A_92 = arith.addf %add3A_86, %get3A_91 : vector<1600x256xf32>
    %swap3A_93 = arith.constant 0 : index
    %swap3A_94 = arith.constant 0 : index
    %swap3A_95 = vector.load %arg13[%swap3A_93, %swap3A_94] : memref<1600x256xf32, #tpu.memory_space<vmem>>, vector<1600x256xf32>
    tpu.vector_store %arg13[%swap3A_93, %swap3A_94], %add3A_92 {strides = array<i32>} : memref<1600x256xf32, #tpu.memory_space<vmem>>, vector<1600x256xf32>,
    return
  }
  func.func @transform_0(%arg0: i32) -> (i32, i32) {
    %c0_i32 = arith.constant 0 : i32
    %c0_i32_0 = arith.constant 0 : i32
    return %arg0, %c0_i32 : i32, i32
  }
  func.func @transform_1(%arg0: i32) -> (i32, i32) {
    %c0_i32 = arith.constant 0 : i32
    %c0_i32_0 = arith.constant 0 : i32
    return %arg0, %c0_i32 : i32, i32
  }
  func.func @transform_2(%arg0: i32) -> (i32, i32) {
    %c0_i32 = arith.constant 0 : i32
    %c0_i32_0 = arith.constant 0 : i32
    return %arg0, %c0_i32 : i32, i32
  }
  func.func @transform_3(%arg0: i32) -> (i32, i32) {
    %c0_i32 = arith.constant 0 : i32
    %c0_i32_0 = arith.constant 0 : i32
    %c0_i32_1 = arith.constant 0 : i32
    return %c0_i32, %c0_i32_0 : i32, i32
  }
  func.func @transform_4(%arg0: i32) -> (i32, i32) {
    %c0_i32 = arith.constant 0 : i32
    %c0_i32_0 = arith.constant 0 : i32
    %c0_i32_1 = arith.constant 0 : i32
    return %c0_i32, %c0_i32_0 : i32, i32
  }
  func.func @transform_5(%arg0: i32) -> (i32, i32) {
    %c0_i32 = arith.constant 0 : i32
    %c0_i32_0 = arith.constant 0 : i32
    %c0_i32_1 = arith.constant 0 : i32
    return %c0_i32, %c0_i32_0 : i32, i32
  }
  func.func @transform_6(%arg0: i32) -> (i32, i32) {
    %c0_i32 = arith.constant 0 : i32
    %c0_i32_0 = arith.constant 0 : i32
    %c0_i32_1 = arith.constant 0 : i32
    return %c0_i32, %c0_i32_0 : i32, i32
  }
  func.func @transform_7(%arg0: i32) -> (i32, i32) {
    %c0_i32 = arith.constant 0 : i32
    %c0_i32_0 = arith.constant 0 : i32
    %c0_i32_1 = arith.constant 0 : i32
    return %c0_i32, %c0_i32_0 : i32, i32
  }
  func.func @transform_8(%arg0: i32) -> (i32, i32) {
    %c0_i32 = arith.constant 0 : i32
    %c0_i32_0 = arith.constant 0 : i32
    %c0_i32_1 = arith.constant 0 : i32
    return %c0_i32, %c0_i32_0 : i32, i32
  }
  func.func @transform_9(%arg0: i32) -> (i32, i32) {
    %c0_i32 = arith.constant 0 : i32
    %c0_i32_0 = arith.constant 0 : i32
    %c0_i32_1 = arith.constant 0 : i32
    return %c0_i32, %c0_i32_0 : i32, i32
  }
  func.func @transform_10(%arg0: i32) -> (i32, i32) {
    %c0_i32 = arith.constant 0 : i32
    %c0_i32_0 = arith.constant 0 : i32
    %c0_i32_1 = arith.constant 0 : i32
    return %c0_i32, %c0_i32_0 : i32, i32
  }
  func.func @transform_11(%arg0: i32) -> (i32, i32) {
    %c0_i32 = arith.constant 0 : i32
    %c0_i32_0 = arith.constant 0 : i32
    return %arg0, %c0_i32 : i32, i32
  }
  func.func @transform_12(%arg0: i32) -> (i32, i32) {
    %c0_i32 = arith.constant 0 : i32
    %c0_i32_0 = arith.constant 0 : i32
    return %arg0, %c0_i32 : i32, i32
  }
}

module attributes {stable_mosaic.version = 14 : i64} {
  func.func @_node_mlp_body(%arg0: i32, %arg1: memref<1000x256xf32, #tpu.memory_space<vmem>>, %arg2: memref<1000x256xf32, #tpu.memory_space<vmem>>, %arg3: memref<512x256xf32, #tpu.memory_space<vmem>>, %arg4: memref<1x256xf32, #tpu.memory_space<vmem>>, %arg5: memref<256x256xf32, #tpu.memory_space<vmem>>, %arg6: memref<1x256xf32, #tpu.memory_space<vmem>>, %arg7: memref<256x256xf32, #tpu.memory_space<vmem>>, %arg8: memref<1x256xf32, #tpu.memory_space<vmem>>, %arg9: memref<1x256xf32, #tpu.memory_space<vmem>>, %arg10: memref<1x256xf32, #tpu.memory_space<vmem>>, %arg11: memref<1000x256xf32, #tpu.memory_space<vmem>>) attributes {dimension_semantics = [#tpu.dimension_semantics<arbitrary>], iteration_bounds = array<i64: 10>, scalar_prefetch = 0 : i64, scratch_operands = 0 : i64, tpu.core_type = #tpu.core_type<tc>, window_params = [{transform_indices = @transform_0, window_bounds = array<i64: 1000, 256>}, {transform_indices = @transform_1, window_bounds = array<i64: 1000, 256>}, {pipeline_mode = #tpu.pipeline_mode<synchronous>, transform_indices = @transform_2, window_bounds = array<i64: 512, 256>}, {pipeline_mode = #tpu.pipeline_mode<synchronous>, transform_indices = @transform_3, window_bounds = array<i64: 1, 256>}, {pipeline_mode = #tpu.pipeline_mode<synchronous>, transform_indices = @transform_4, window_bounds = array<i64: 256, 256>}, {pipeline_mode = #tpu.pipeline_mode<synchronous>, transform_indices = @transform_5, window_bounds = array<i64: 1, 256>}, {pipeline_mode = #tpu.pipeline_mode<synchronous>, transform_indices = @transform_6, window_bounds = array<i64: 256, 256>}, {pipeline_mode = #tpu.pipeline_mode<synchronous>, transform_indices = @transform_7, window_bounds = array<i64: 1, 256>}, {pipeline_mode = #tpu.pipeline_mode<synchronous>, transform_indices = @transform_8, window_bounds = array<i64: 1, 256>}, {pipeline_mode = #tpu.pipeline_mode<synchronous>, transform_indices = @transform_9, window_bounds = array<i64: 1, 256>}, {transform_indices = @transform_10, window_bounds = array<i64: 1000, 256>}]} {
    %get3A = arith.constant 0 : index
    %get3A_0 = arith.constant 0 : index
    %get3A_1 = vector.load %arg1[%get3A, %get3A_0] : memref<1000x256xf32, #tpu.memory_space<vmem>>, vector<1000x256xf32>
    %get3A_2 = arith.constant 0 : index
    %get3A_3 = arith.constant 0 : index
    %get3A_4 = vector.load %arg3[%get3A_2, %get3A_3] : memref<512x256xf32, #tpu.memory_space<vmem>>, vector<256x256xf32>
    %dot_general3A = arith.constant dense<0.000000e+00> : vector<1000x256xf32>
    %dot_general3A_5 = tpu.matmul %get3A_1, %get3A_4, %dot_general3A {dimension_numbers = #tpu.dot_dimension_numbers<[1], [0], [0], [1], [0, 0, 1, 1], [], []>, transpose_lhs_hint = false} : vector<1000x256xf32>, vector<256x256xf32>, vector<1000x256xf32> -> vector<1000x256xf32>
    %get3A_6 = arith.constant 0 : index
    %get3A_7 = arith.constant 0 : index
    %get3A_8 = vector.load %arg2[%get3A_6, %get3A_7] : memref<1000x256xf32, #tpu.memory_space<vmem>>, vector<1000x256xf32>
    %get3A_9 = arith.constant 256 : index
    %get3A_10 = arith.constant 0 : index
    %get3A_11 = vector.load %arg3[%get3A_9, %get3A_10] : memref<512x256xf32, #tpu.memory_space<vmem>>, vector<256x256xf32>
    %dot_general3A_12 = arith.constant dense<0.000000e+00> : vector<1000x256xf32>
    %dot_general3A_13 = tpu.matmul %get3A_8, %get3A_11, %dot_general3A_12 {dimension_numbers = #tpu.dot_dimension_numbers<[1], [0], [0], [1], [0, 0, 1, 1], [], []>, transpose_lhs_hint = false} : vector<1000x256xf32>, vector<256x256xf32>, vector<1000x256xf32> -> vector<1000x256xf32>
    %add3A = arith.addf %dot_general3A_5, %dot_general3A_13 : vector<1000x256xf32>
    %get3A_14 = arith.constant 0 : index
    %get3A_15 = arith.constant 0 : index
    %get3A_16 = vector.load %arg4[%get3A_14, %get3A_15] : memref<1x256xf32, #tpu.memory_space<vmem>>, vector<1x256xf32>
    %add3A_17 = vector.broadcast %get3A_16 : vector<1x256xf32> to vector<1000x256xf32>
    %add3A_18 = arith.addf %add3A, %add3A_17 : vector<1000x256xf32>
    %max3A = arith.constant 0.000000e+00 : f32
    %max3A_19 = vector.broadcast %max3A : f32 to vector<1000x256xf32>
    %max3A_20 = arith.maximumf %add3A_18, %max3A_19 : vector<1000x256xf32>
    %get3A_21 = arith.constant 0 : index
    %get3A_22 = arith.constant 0 : index
    %get3A_23 = vector.load %arg5[%get3A_21, %get3A_22] : memref<256x256xf32, #tpu.memory_space<vmem>>, vector<256x256xf32>
    %dot_general3A_24 = arith.constant dense<0.000000e+00> : vector<1000x256xf32>
    %dot_general3A_25 = tpu.matmul %max3A_20, %get3A_23, %dot_general3A_24 {dimension_numbers = #tpu.dot_dimension_numbers<[1], [0], [0], [1], [0, 0, 1, 1], [], []>, transpose_lhs_hint = false} : vector<1000x256xf32>, vector<256x256xf32>, vector<1000x256xf32> -> vector<1000x256xf32>
    %get3A_26 = arith.constant 0 : index
    %get3A_27 = arith.constant 0 : index
    %get3A_28 = vector.load %arg6[%get3A_26, %get3A_27] : memref<1x256xf32, #tpu.memory_space<vmem>>, vector<1x256xf32>
    %add3A_29 = vector.broadcast %get3A_28 : vector<1x256xf32> to vector<1000x256xf32>
    %add3A_30 = arith.addf %dot_general3A_25, %add3A_29 : vector<1000x256xf32>
    %max3A_31 = arith.constant 0.000000e+00 : f32
    %max3A_32 = vector.broadcast %max3A_31 : f32 to vector<1000x256xf32>
    %max3A_33 = arith.maximumf %add3A_30, %max3A_32 : vector<1000x256xf32>
    %get3A_34 = arith.constant 0 : index
    %get3A_35 = arith.constant 0 : index
    %get3A_36 = vector.load %arg7[%get3A_34, %get3A_35] : memref<256x256xf32, #tpu.memory_space<vmem>>, vector<256x256xf32>
    %dot_general3A_37 = arith.constant dense<0.000000e+00> : vector<1000x256xf32>
    %dot_general3A_38 = tpu.matmul %max3A_33, %get3A_36, %dot_general3A_37 {dimension_numbers = #tpu.dot_dimension_numbers<[1], [0], [0], [1], [0, 0, 1, 1], [], []>, transpose_lhs_hint = false} : vector<1000x256xf32>, vector<256x256xf32>, vector<1000x256xf32> -> vector<1000x256xf32>
    %get3A_39 = arith.constant 0 : index
    %get3A_40 = arith.constant 0 : index
    %get3A_41 = vector.load %arg8[%get3A_39, %get3A_40] : memref<1x256xf32, #tpu.memory_space<vmem>>, vector<1x256xf32>
    %add3A_42 = vector.broadcast %get3A_41 : vector<1x256xf32> to vector<1000x256xf32>
    %add3A_43 = arith.addf %dot_general3A_38, %add3A_42 : vector<1000x256xf32>
    %reduce_sum3A = arith.constant dense<0.000000e+00> : vector<1000xf32>
    %reduce_sum3A_44 = vector.multi_reduction <add>, %add3A_43, %reduce_sum3A [1] : vector<1000x256xf32> to vector<1000xf32>
    %broadcast_in_dim3A = vector.shape_cast %reduce_sum3A_44 : vector<1000xf32> to vector<1000x1xf32>
    %div3A = arith.constant 2.560000e+02 : f32
    %div3A_45 = vector.broadcast %div3A : f32 to vector<1000x1xf32>
    %div3A_46 = arith.divf %broadcast_in_dim3A, %div3A_45 : vector<1000x1xf32>
    %sub3A = vector.broadcast %div3A_46 : vector<1000x1xf32> to vector<1000x256xf32>
    %sub3A_47 = arith.subf %add3A_43, %sub3A : vector<1000x256xf32>
    %mul3A = arith.mulf %sub3A_47, %sub3A_47 : vector<1000x256xf32>
    %reduce_sum3A_48 = arith.constant dense<0.000000e+00> : vector<1000xf32>
    %reduce_sum3A_49 = vector.multi_reduction <add>, %mul3A, %reduce_sum3A_48 [1] : vector<1000x256xf32> to vector<1000xf32>
    %broadcast_in_dim3A_50 = vector.shape_cast %reduce_sum3A_49 : vector<1000xf32> to vector<1000x1xf32>
    %div3A_51 = arith.constant 2.560000e+02 : f32
    %div3A_52 = vector.broadcast %div3A_51 : f32 to vector<1000x1xf32>
    %div3A_53 = arith.divf %broadcast_in_dim3A_50, %div3A_52 : vector<1000x1xf32>
    %add3A_54 = arith.constant 9.99999974E-6 : f32
    %add3A_55 = vector.broadcast %add3A_54 : f32 to vector<1000x1xf32>
    %add3A_56 = arith.addf %div3A_53, %add3A_55 : vector<1000x1xf32>
    %rsqrt3A = math.rsqrt %add3A_56 : vector<1000x1xf32>
    %mul3A_57 = vector.broadcast %rsqrt3A : vector<1000x1xf32> to vector<1000x256xf32>
    %mul3A_58 = arith.mulf %sub3A_47, %mul3A_57 : vector<1000x256xf32>
    %get3A_59 = arith.constant 0 : index
    %get3A_60 = arith.constant 0 : index
    %get3A_61 = vector.load %arg9[%get3A_59, %get3A_60] : memref<1x256xf32, #tpu.memory_space<vmem>>, vector<1x256xf32>
    %mul3A_62 = vector.broadcast %get3A_61 : vector<1x256xf32> to vector<1000x256xf32>
    %mul3A_63 = arith.mulf %mul3A_58, %mul3A_62 : vector<1000x256xf32>
    %get3A_64 = arith.constant 0 : index
    %get3A_65 = arith.constant 0 : index
    %get3A_66 = vector.load %arg10[%get3A_64, %get3A_65] : memref<1x256xf32, #tpu.memory_space<vmem>>, vector<1x256xf32>
    %add3A_67 = vector.broadcast %get3A_66 : vector<1x256xf32> to vector<1000x256xf32>
    %add3A_68 = arith.addf %mul3A_63, %add3A_67 : vector<1000x256xf32>
    %get3A_69 = arith.constant 0 : index
    %get3A_70 = arith.constant 0 : index
    %get3A_71 = vector.load %arg1[%get3A_69, %get3A_70] : memref<1000x256xf32, #tpu.memory_space<vmem>>, vector<1000x256xf32>
    %add3A_72 = arith.addf %add3A_68, %get3A_71 : vector<1000x256xf32>
    %swap3A = arith.constant 0 : index
    %swap3A_73 = arith.constant 0 : index
    %swap3A_74 = vector.load %arg11[%swap3A, %swap3A_73] : memref<1000x256xf32, #tpu.memory_space<vmem>>, vector<1000x256xf32>
    tpu.vector_store %arg11[%swap3A, %swap3A_73], %add3A_72 {strides = array<i32>} : memref<1000x256xf32, #tpu.memory_space<vmem>>, vector<1000x256xf32>,
    return
  }
  func.func @transform_0(%arg0: i32) -> (i32, i32) {
    %c0_i32 = arith.constant 0 : i32
    %c0_i32_0 = arith.constant 0 : i32
    return %arg0, %c0_i32 : i32, i32
  }
  func.func @transform_1(%arg0: i32) -> (i32, i32) {
    %c0_i32 = arith.constant 0 : i32
    %c0_i32_0 = arith.constant 0 : i32
    return %arg0, %c0_i32 : i32, i32
  }
  func.func @transform_2(%arg0: i32) -> (i32, i32) {
    %c0_i32 = arith.constant 0 : i32
    %c0_i32_0 = arith.constant 0 : i32
    %c0_i32_1 = arith.constant 0 : i32
    return %c0_i32, %c0_i32_0 : i32, i32
  }
  func.func @transform_3(%arg0: i32) -> (i32, i32) {
    %c0_i32 = arith.constant 0 : i32
    %c0_i32_0 = arith.constant 0 : i32
    %c0_i32_1 = arith.constant 0 : i32
    return %c0_i32, %c0_i32_0 : i32, i32
  }
  func.func @transform_4(%arg0: i32) -> (i32, i32) {
    %c0_i32 = arith.constant 0 : i32
    %c0_i32_0 = arith.constant 0 : i32
    %c0_i32_1 = arith.constant 0 : i32
    return %c0_i32, %c0_i32_0 : i32, i32
  }
  func.func @transform_5(%arg0: i32) -> (i32, i32) {
    %c0_i32 = arith.constant 0 : i32
    %c0_i32_0 = arith.constant 0 : i32
    %c0_i32_1 = arith.constant 0 : i32
    return %c0_i32, %c0_i32_0 : i32, i32
  }
  func.func @transform_6(%arg0: i32) -> (i32, i32) {
    %c0_i32 = arith.constant 0 : i32
    %c0_i32_0 = arith.constant 0 : i32
    %c0_i32_1 = arith.constant 0 : i32
    return %c0_i32, %c0_i32_0 : i32, i32
  }
  func.func @transform_7(%arg0: i32) -> (i32, i32) {
    %c0_i32 = arith.constant 0 : i32
    %c0_i32_0 = arith.constant 0 : i32
    %c0_i32_1 = arith.constant 0 : i32
    return %c0_i32, %c0_i32_0 : i32, i32
  }
  func.func @transform_8(%arg0: i32) -> (i32, i32) {
    %c0_i32 = arith.constant 0 : i32
    %c0_i32_0 = arith.constant 0 : i32
    %c0_i32_1 = arith.constant 0 : i32
    return %c0_i32, %c0_i32_0 : i32, i32
  }
  func.func @transform_9(%arg0: i32) -> (i32, i32) {
    %c0_i32 = arith.constant 0 : i32
    %c0_i32_0 = arith.constant 0 : i32
    %c0_i32_1 = arith.constant 0 : i32
    return %c0_i32, %c0_i32_0 : i32, i32
  }
  func.func @transform_10(%arg0: i32) -> (i32, i32) {
    %c0_i32 = arith.constant 0 : i32
    %c0_i32_0 = arith.constant 0 : i32
    return %arg0, %c0_i32 : i32, i32
  }
}

</mosaic_0001>

<sc_bundles>
// kernel: kernel.6.cloned.1.call-start
scs
__scs_entry_jumppad:
0x0: {  	(pc) =	sbr.rel $0x88, $3  }
0x1: {  	(tag) =	ssettag $0x0;
	lr =	simm.s32 $0x1  }
0x2: {  	[smem:$0x3F8D] =	sst lr;
	_ =	strace $0xD0000000  }
0x3: {  	_ = 	snop  }
0x4: {  	_ = 	snop  }
0x5: {  	_ = 	snop  }
0x6: {  	_ = 	snop  }
0x7: {  	_ = 	snop  }
__scs_overlays_trampoline_lowered:
0x8: {  	[smem:$0x3F9C] =	sst s0  }
0x9: {  	[smem:$0x3F9D] =	sst s1  }
0xa: {  	[smem:$0x3F9E] =	sst s2  }
0xb: {  	[smem:$0x3F9F] =	sst s3  }
0xc: {  	[smem:$0x3FA0] =	sst s4  }
0xd: {  	[smem:$0x3FA1] =	sst s5  }
0xe: {  	[smem:$0x3FA2] =	sst s6  }
0xf: {  	[smem:$0x3FA3] =	sst s7  }
0x10: {  	[smem:$0x3FA4] =	sst s8  }
0x11: {  	[smem:$0x3FA5] =	sst s9;
	s0 =	simm.s32 @!p0 $0x0  }
0x12: {  	s1 =	sld [smem:$0x3F8B];
	s0 =	simm.s32 @p0 $0x1  }
0x13: {  	[smem:$0x3FA6] =	sst s0;
	s0 =	simm.s32 @!p1 $0x0  }
0x14: {  	s2 =	sld [smem:$0x3F8A];
	s0 =	simm.s32 @p1 $0x1  }
0x15: {  	[smem:$0x3FA7] =	sst s0;
	s0 =	simm.s32 @!p2 $0x0  }
0x16: {  	s3 =	sld [smem:$0x3FDB];
	s0 =	simm.s32 @p2 $0x1  }
0x17: {  	s4 =	simm.s32 $0x1BF5;
	[smem:$0x3FA9] =	sst s0  }
0x18: {  	s0 =	sld [smem:$0x3F8C];
	_ =	swait.ge [sflag:s4], $0x0  }
0x19: {  	s7 =	sld [smem:$0x3F8D]  }
0x1a: {  	s8 =	sadd.s32 $0xFFFFE003, lr  }
0x1b: {  	s9 =	sadd.s32 $0xFFFFFEF7, lr;
	s5 =	simm.s32 $0xFFFFFFFF;
	p2 =	slt.u32 s8, $0xFFFFF086  }
0x1c: {  	p1 =	slt.u32 s9, $0xF7A;
	s5 =	simm.s32 @!p2 $0x0  }
0x1d: {  	s5 =	simm.s32 @p1 $0x1;
	p0 =	seq.s32 s7, s2  }
0x1e: {  	s7 =	smul.u32 @!p0 $0xF7A, s2;
	p2 =	seq.s32 @!p0 s5, $0x0  }
0x1f: {  	s9 =	smul.u32 $0xF7A, s1;
	s8 =	simm.s32 @!p0 $0x1BF5;
	p2 =	por !p2, p0  }
0x20: {  	[sflag:s8] =	ssyncset.s32 @!p0 $0xFFFFF086;
	s6 =	sadd.s32 @!p0 s3, s7;
	s7 =	simm.s32 @!p0 $0x108  }
0x21: {  	s3 =	sadd.s32 s3, s9;
	s6 =	sadd.s32 @!p0 $0x88, s6;
	s7 =	simm.s32 @p2 $0x1082  }
0x22: {  	[simem:s7], [sflag:s8] =	dma.local @!p0 [hbm:s6], $0xF7A  }
0x23: {  	s9 =	sor.u32 $0xD0000000, s2;
	s6 =	simm.s32 $0x108;
	_ =	swait.ge @!p0 [sflag:s8], $0x0  }
0x24: {  	s3 =	sadd.s32 $0x88, s3;
	s6 =	simm.s32 @!p1 $0x1082;
	[sflag:s4] =	ssyncset.s32 $0xFFFFF086  }
0x25: {  	[simem:s6], [sflag:s4] =	dma.local [hbm:s3], $0xF7A  }
0x26: {  	[smem:$0x3F8D] =	sst s1;
	(tag) =	ssettag s2;
	_ =	strace s9  }
0x27: {  	s1 =	sld [smem:$0x3F9D]  }
0x28: {  	s2 =	sld [smem:$0x3F9E]  }
0x29: {  	s4 =	sld [smem:$0x3FA0]  }
0x2a: {  	p0 =	seq.s32 s5, $0x0;
	s5 =	sld [smem:$0x3FA1]  }
0x2b: {  	s6 =	sld [smem:$0x3FA2]  }
0x2c: {  	s7 =	sld [smem:$0x3FA3]  }
0x2d: {  	s3 =	simm.s32 $0x108;
	s8 =	sld [smem:$0x3FA4]  }
0x2e: {  	s3 =	simm.s32 @!p0 $0x1082;
	s9 =	sld [smem:$0x3FA5]  }
0x2f: {  	lr =	sadd.s32 s0, s3;
	s0 =	sld [smem:$0x3F9C]  }
0x30: {  	s3 =	sld [smem:$0x3F9F]  }
0x31: {  	[smem:$0x3FA8] =	sst s10  }
0x32: {  	s10 =	sld [smem:$0x3FA6];
	_ =	sdelay $0x3  }
0x33: {  	p0 =	seq.s32 s10, $0x1;
	s10 =	sld [smem:$0x3FA8];
	_ =	sdelay $0x3  }
0x34: {  	[smem:$0x3FA8] =	sst s10  }
0x35: {  	s10 =	sld [smem:$0x3FA7];
	_ =	sdelay $0x3  }
0x36: {  	p1 =	seq.s32 s10, $0x1;
	s10 =	sld [smem:$0x3FA8];
	_ =	sdelay $0x3  }
0x37: {  	[smem:$0x3FA8] =	sst s10  }
0x38: {  	s10 =	sld [smem:$0x3FA9]  }
0x39: {  	_ = 	snop;
	(pc) =	sbr.ind lr, $3  }
0x3a: {  	_ = 	snop  }
0x3b: {  	_ = 	snop  }
0x3c: {  	p2 =	seq.s32 s10, $0x1;
	s10 =	sld [smem:$0x3FA8]  }
0x3d: {  	_ =	shalt  }
0x3e: {  	_ =	shalt  }
0x3f: {  	_ =	shalt  }
0x40: {  	_ =	shalt  }
0x41: {  	_ =	shalt  }
0x42: {  	_ =	shalt  }
0x43: {  	_ =	shalt  }
0x44: {  	_ =	shalt  }
0x45: {  	_ =	shalt  }
0x46: {  	_ =	shalt  }
0x47: {  	_ =	shalt  }
0x48: {  	_ =	shalt  }
0x49: {  	_ =	shalt  }
0x4a: {  	_ =	shalt  }
0x4b: {  	_ =	shalt  }
0x4c: {  	_ =	shalt  }
0x4d: {  	_ =	shalt  }
0x4e: {  	_ =	shalt  }
0x4f: {  	_ =	shalt  }
0x50: {  	_ =	shalt  }
0x51: {  	_ =	shalt  }
0x52: {  	_ =	shalt  }
0x53: {  	_ =	shalt  }
0x54: {  	_ =	shalt  }
0x55: {  	_ =	shalt  }
0x56: {  	_ =	shalt  }
0x57: {  	_ =	shalt  }
0x58: {  	_ =	shalt  }
0x59: {  	_ =	shalt  }
0x5a: {  	_ =	shalt  }
0x5b: {  	_ =	shalt  }
0x5c: {  	_ =	shalt  }
0x5d: {  	_ =	shalt  }
0x5e: {  	_ =	shalt  }
0x5f: {  	_ =	shalt  }
0x60: {  	_ =	shalt  }
0x61: {  	_ =	shalt  }
0x62: {  	_ =	shalt  }
0x63: {  	_ =	shalt  }
0x64: {  	_ =	shalt  }
0x65: {  	_ =	shalt  }
0x66: {  	_ =	shalt  }
0x67: {  	_ =	shalt  }
0x68: {  	_ =	shalt  }
0x69: {  	_ =	shalt  }
0x6a: {  	_ =	shalt  }
0x6b: {  	_ =	shalt  }
0x6c: {  	_ =	shalt  }
0x6d: {  	_ =	shalt  }
0x6e: {  	_ =	shalt  }
0x6f: {  	_ =	shalt  }
0x70: {  	_ =	shalt  }
0x71: {  	_ =	shalt  }
0x72: {  	_ =	shalt  }
0x73: {  	_ =	shalt  }
0x74: {  	_ =	shalt  }
0x75: {  	_ =	shalt  }
0x76: {  	_ =	shalt  }
0x77: {  	_ =	shalt  }
0x78: {  	_ =	shalt  }
0x79: {  	_ =	shalt  }
0x7a: {  	_ =	shalt  }
0x7b: {  	_ =	shalt  }
0x7c: {  	_ =	shalt  }
0x7d: {  	_ =	shalt  }
0x7e: {  	_ =	shalt  }
0x7f: {  	_ =	shalt  }
0x80: {  	_ =	shalt  }
0x81: {  	_ =	shalt  }
0x82: {  	_ =	shalt  }
0x83: {  	_ =	shalt  }
0x84: {  	_ =	shalt  }
0x85: {  	_ =	shalt  }
0x86: {  	_ =	shalt  }
0x87: {  	_ =	shalt  }
.Lfunc_end0:
.L_simem_size_0:
called_computation_lowered:
.L_overlay_start_0:
0x88: {  	s2 =	sld [smem:$0x3FD9]  }
0x89: {  	s3 =	sld [smem:$0x3FFE];
	_ =	sdelay $0x1  }
0x8a: {  	s1 =	srdreg.scid  }
0x8b: {  	s0 =	sand.u32 $0x1, s1  }
0x8c: {  	s14 =	sshll.u32 s0, $0xA;
	s2 =	sadd.s32 s3, s2  }
0x8d: {  	s2 =	sadd.s32 s2, s14  }
0x8e: {  	[smem:$0x3FB4] =	sst s2  }
0x8f: {  	_ = 	snop  }
0x90: {  	s2 =	sld [smem:$0x3FD0];
	_ =	sdelay $0x1  }
0x91: {  	s15 =	sld [smem:$0x3FC7]  }
0x92: {  	s5 =	simm.s32 $0xA;
	s6 =	simm.s32 $0x10;
	s4 =	sld [smem:$0x3FC6]  }
0x93: {  	[smem:s6], [sflag:s5] =	dma.local [hbm:s2], $0x1  }
0x94: {  	_ =	swait.eq [sflag:s5], $0x1  }
0x95: {  	[sflag:s5] =	ssyncset.done $0x0  }
0x96: {  	[sflag:s5] =	ssyncadd.s32 $0xFFFFFFFF  }
0x97: {  	s16 =	sld [smem:$0x10];
	(tm) =	ssettm $0x1  }
0x98: {  	s17 =	sld [smem:$0x3FFB];
	_ =	sdelay $0x3  }
0x99: {  	_ =	strace s17  }
0x9a: {  	s5 =	sld [smem:$0x3FFC];
	_ =	sdelay $0x3  }
0x9b: {  	_ =	strace s5  }
0x9c: {  	s5 =	sld [smem:$0x3FFD];
	_ =	sdelay $0x3  }
0x9d: {  	_ =	strace s5  }
0x9e: {  	_ =	strace $0x8FFFFFFF  }
0x9f: {  	s18 =	sld [smem:$0x3FDB];
	_ =	sdelay $0x1  }
0xa0: {  	s19 =	simm.s32 $_scs_section_size  }
0xa1: {  	s7 =	simm.s32 $_size__tile_overlayer_lowered;
	s8 =	simm.s32 $_tile_overlayer_lowered  }
0xa2: {  	s22 =	simm.s32 $0x1BFF;
	s21 =	sshll.u32 s8, $0x1;
	s5 =	sadd.s32 s19, s18  }
0xa3: {  	s9 =	simm.s32 $0x0;
	s20 =	sshll.u32 s7, $0x1;
	s7 =	sadd.s32 s21, s5  }
0xa4: {  	[timem:s9], [sflag:s22] =	dma.local [hbm:s7], s20  }
0xa5: {  	_ =	swait.ge [sflag:s22], s20  }
0xa6: {  	s6 =	ssub.s32 $0x0, s20;
	[sflag:s22] =	ssyncset.done $0x0  }
0xa7: {  	[sflag:s22] =	ssyncadd.s32 s6;
	_ =	sdelay $0x1  }
0xa8: {  	s23 =	simm.s32 $0x1B8B  }
0xa9: {  	_ =	swait.ge [sflag:s23], $0x1  }
0xaa: {  	[sflag:s23] =	ssyncset.done $0x0  }
0xab: {  	s25 =	simm.s32 $0x1B8E;
	s24 =	sld [smem:$0x3FFE];
	[sflag:s23] =	ssyncadd.s32 $0xFFFFFFFF  }
0xac: {  	s26 =	simm.s32 $execute0_lowered;
	[smem:$0x3FD2] =	sst s25  }
0xad: {  	s7 =	sshll.u32 s26, $0x1;
	_ =	strace $0x80000046;
	[dreg:$0x1] =	wrdreg $0xFFFFFFFF  }
0xae: {  	s28 =	simm.s32 $_size_execute0_lowered;
	s5 =	sadd.s32 s5, s7;
	[dreg:$0x0] =	wrdreg $0x0  }
0xaf: {  	s7 =	sshll.u32 s28, $0x1;
	[dreg:$0x2] =	wrdreg s5  }
0xb0: {  	[dreg:$0x3] =	wrdreg s7  }
0xb1: {  	[dreg:$0x4] =	wrdreg $0xC0  }
0xb2: {  	_ =	task [dreg:s9], $0x5FFFF  }
0xb3: {  	[dreg:$0x1] =	wrdreg $0xFFFFFFFF  }
0xb4: {  	[dreg:$0x0] =	wrdreg $0x60  }
0xb5: {  	[dreg:$0x2] =	wrdreg s16  }
0xb6: {  	[dreg:$0x3] =	wrdreg s15  }
0xb7: {  	[dreg:$0x4] =	wrdreg s4  }
0xb8: {  	[dreg:$0x5] =	wrdreg s24  }
0xb9: {  	[dreg:$0x6] =	wrdreg $0x9  }
0xba: {  	_ =	task.clear_ibuf [dreg:s9], $0x7FFFF;
	_ =	strace $0x90000046  }
0xbb: {  	s29 =	simm.s32 $0x9;
	_ =	strace $0x80000048  }
0xbc: {  	_ =	swait.ge [sflag:s29], $0x1  }
0xbd: {  	[sflag:s29] =	ssyncadd.s32 $0xFFFFFFFF  }
0xbe: {  	_ =	strace $0x90000048  }
0xbf: {  	_ =	sfence  }
0xc0: {  	s30 =	sld [smem:$0x0];
	_ =	sdelay $0x2  }
0xc1: {  	s31 =	sshll.u32 s1, $0xD;
	s1 =	sshrl.u32 s1, $0x2  }
0xc2: {  	s3 =	sand.u32 $0x4000, s31;
	s1 =	sadd.s32 s1, s30  }
0xc3: {  	s0 =	sor.u32 s3, s0;
	s1 =	sshll.u32 s1, $0x11  }
0xc4: {  	s0 =	sor.u32 s1, s0  }
0xc5: {  	s0 =	sadd.s32 $0x8F2B, s0  }
0xc6: {  	[sflag:s0] =	ssyncadd.remote.s32 $0x1  }
0xc7: {  	_ =	sfence.sel $0xFFFF  }
0xc8: {  	[dreg:$0x0] =	wrdreg $0xFFFFFFFF;
	(pc) =	sbr.abs _section_cstart, $3  }
0xc9: {  	[dreg:$0x1] =	wrdreg $0xFFFFFFFF  }
0xca: {  	_ =	task.clear_ibuf [dreg:s9], $0x2FFFF;
	_ =	strace $0x9FFFFFFF  }
0xcb: {  	(tm) =	ssettm $0x7FFFFFFF  }
tec
execute0_lowered:
.L_overlay_start_1:
0x0: {  	(tag) =	ssettag $0x1  }
0x1: {  	s1 =	rddreg [dreg:$0x0]  }
0x2: {  	s0 =	rddreg [dreg:$0x1]  }
0x3: {  	s2 =	rddreg [dreg:$0x2]  }
0x4: {  	s4 =	rddreg [dreg:$0x3]  }
0x5: {  	s5 =	srdreg.scid;
	s12 =	stileid.u32;
	s3 =	simm.s32 $0x0  }
0x6: {  	s28 =	simm.s32 $0x3;
	s29 =	simm.s32 $0x6;
	s20 =	smul.u32 $0x27100, s12  }
0x7: {  	s30 =	simm.s32 $0x8;
	s5 =	sand.u32 $0x1, s5;
	s22 =	smul.u32 $0x2710, s12  }
0x8: {  	s6 =	sshll.u32 s12, $0x1;
	[smem:$0x7FF] =	sst s3;
	s24 =	smul.u32 $0x1388, s5  }
0x9: {  	s6 =	sor.u32 s5, s6;
	s7 =	ssub.s32 $0x2, s5;
	s5 =	smul.u32 $0x13880, s5  }
0xa: {  	s9 =	sadd.s32 $0x3C00, s4;
	s4 =	sadd.s32 $0x274C00, s4;
	s8 =	smul.u32 $0x1388, s6  }
0xb: {  	s31 =	simm.s32 $0x5;
	_ =	strace $0x80000047;
	s17 =	smul.u32 $0x9C400, s6  }
0xc: {  	s10 =	sshrl.u32 s7, $0x1;
	s6 =	smul.u32 $0x13880, s6;
	s25 =	sadd.s32 s20, s9  }
0xd: {  	s7 =	ssub.s32 s7, s10;
	s16 =	sshrl.u32 s8, $0x3;
	s8 =	sadd.s32 $0x28, s8  }
0xe: {  	s19 =	sshrl.u32 s17, $0x3;
	s21 =	sadd.s32 s9, s6;
	s6 =	sadd.s32 s4, s6  }
0xf: {  	s7 =	smax.u32 s7, $0x1;
	s17 =	simm.s32 $0x9;
	[dreg:$0x9] =	wrdreg s21  }
0x10: {  	s11 =	sadd.s32 s0, s16;
	s8 =	sshrl.u32 s8, $0x3;
	[dreg:$0xa] =	wrdreg s6  }
0x11: {  	s10 =	sadd.s32 s2, s16;
	[dreg:$0xd] =	wrdreg s7;
	s6 =	sadd.s32 s24, s22  }
0x12: {  	s7 =	sadd.s32 s5, s25;
	s21 =	simm.s32 $0x2A00;
	[dreg:$0x5] =	wrdreg s11  }
0x13: {  	[dreg:$0x6] =	wrdreg s10;
	s18 =	sadd.s32 s0, s8;
	s8 =	sadd.s32 s2, s8  }
0x14: {  	s26 =	sadd.s32 $0x50, s6;
	[dreg:$0x8] =	wrdreg s8;
	s8 =	sadd.s32 $0x13600, s19  }
0x15: {  	s13 =	sadd.s32 $0x280, s7;
	[dreg:$0x7] =	wrdreg s18;
	s23 =	sadd.s32 s9, s8  }
0x16: {  	s19 =	simm.s32 $0x28;
	s8 =	sadd.s32 s4, s8;
	[dreg:$0xb] =	wrdreg s23  }
0x17: {  	s4 =	sadd.s32 s20, s4;
	s20 =	simm.s32 $0x200;
	[dreg:$0xc] =	wrdreg s8  }
0x18: {  	s4 =	sadd.s32 s5, s4;
	s5 =	sshrl.u32 s26, $0x3;
	s23 =	simm.s32 $0x180  }
0x19: {  	s26 =	simm.s32 $0x1;
	s14 =	sadd.s32 $0x280, s4;
	s4 =	sadd.s32 s5, s2  }
0x1a: {  	s16 =	sadd.s32 s5, s0;
	s0 =	simm.s32 $0x7;
	s2 =	simm.s32 $0x0  }
.LBB2_1:
0x1b: {  	s5 =	rddreg [dreg:$0x5]  }
0x1c: {  	[tilespmem:s3], [sflag:$0x9] =	stream.linear.gather [hbm4b:s5+s3], $0x28, $0x38;
	[tilespmem:$0x5200] =	vst v63  }
0x1d: {  	_ =	swait.ge [sflag:s17], $0x28  }
0x1e: {  	[sflag:s17] =	ssyncset.done $0x0  }
0x1f: {  	s6 =	simm.s32 $0x100;
	s25 =	rddreg [dreg:$0x6];
	[sflag:s17] =	ssyncadd.s32 $0xFFFFFFD8  }
0x20: {  	[tilespmem:s6], [sflag:$0x9] =	stream.linear.gather [hbm4b:s25+s3], $0x28, $0x38;
	[tilespmem:$0x5200] =	vst v63  }
0x21: {  	_ =	swait.ge [sflag:s17], $0x28  }
0x22: {  	[sflag:s17] =	ssyncset.done $0x0  }
0x23: {  	[sflag:s17] =	ssyncadd.s32 $0xFFFFFFD8  }
0x24: {  	[tilespmem:s20], [sflag:$0x1] =	stream.indirect.gather [hbm4b:s1+s19], $0x80, s3, s19, $0xb8;
	[tilespmem:$0x5200] =	vst v63  }
0x25: {  	_ = 	snop  }
0x26: {  	[tilespmem:s21], [sflag:$0x3] =	stream.indirect.gather [hbm4b:s1+s19], $0x80, s6, s19, $0xb8;
	[tilespmem:$0x5200] =	vst v63  }
0x27: {  	s8 =	simm.s32 $0x80;
	s7 =	rddreg [dreg:$0x7]  }
0x28: {  	[tilespmem:s8], [sflag:$0x9] =	stream.linear.gather [hbm4b:s7+s3], $0x28, $0x38;
	[tilespmem:$0x5200] =	vst v63  }
0x29: {  	_ =	swait.ge [sflag:s17], $0x28  }
0x2a: {  	[sflag:s17] =	ssyncset.done $0x0  }
0x2b: {  	s9 =	rddreg [dreg:$0x8];
	[sflag:s17] =	ssyncadd.s32 $0xFFFFFFD8  }
0x2c: {  	[tilespmem:s23], [sflag:$0x9] =	stream.linear.gather [hbm4b:s9+s3], $0x28, $0x38;
	[tilespmem:$0x5200] =	vst v63  }
0x2d: {  	_ =	swait.ge [sflag:s17], $0x28  }
0x2e: {  	[sflag:s17] =	ssyncset.done $0x0  }
0x2f: {  	s10 =	simm.s32 $0x1600;
	[sflag:s17] =	ssyncadd.s32 $0xFFFFFFD8  }
0x30: {  	[tilespmem:s10], [sflag:$0x2] =	stream.indirect.gather [hbm4b:s1+s19], $0x80, s8, s19, $0xb8;
	[tilespmem:$0x5200] =	vst v63  }
0x31: {  	s11 =	simm.s32 $0x3E00  }
0x32: {  	[tilespmem:s11], [sflag:$0x4] =	stream.indirect.gather [hbm4b:s1+s19], $0x80, s23, s19, $0xb8;
	[tilespmem:$0x5200] =	vst v63  }
0x33: {  	_ =	swait.ge [sflag:s26], $0x1400  }
0x34: {  	[sflag:s26] =	ssyncset.done $0x0  }
0x35: {  	[sflag:s26] =	ssyncadd.s32 $0xFFFFEC00  }
0x36: {  	_ =	swait.ge [sflag:s28], $0x1400  }
0x37: {  	s18 =	simm.s32 $0x2;
	[sflag:s28] =	ssyncset.done $0x0  }
0x38: {  	s5 =	sand.u32 $0x1, s18;
	s12 =	rddreg [dreg:$0x9];
	[sflag:s28] =	ssyncadd.s32 $0xFFFFEC00  }
0x39: {  	[hbm4b:s12+s3] =	stream.linear.scatter [tilespmem:s20], [sflag:$0x5], $0x1400, $0x38;
	[tilespmem:$0x5200] =	vst v63  }
0x3a: {  	s22 =	sadd.s32 $0x5, s5;
	s15 =	rddreg [dreg:$0xa]  }
0x3b: {  	[hbm4b:s15+s3] =	stream.linear.scatter [tilespmem:s21], [sflag:$0x7], $0x1400, $0x38;
	[tilespmem:$0x5200] =	vst v63  }
0x3c: {  	_ =	swait.ge [sflag:s22], $0x1400  }
0x3d: {  	[sflag:s22] =	ssyncset.done $0x0  }
0x3e: {  	s24 =	sadd.s32 $0x7, s5;
	[sflag:s22] =	ssyncadd.s32 $0xFFFFEC00  }
0x3f: {  	_ =	swait.ge [sflag:s24], $0x1400  }
0x40: {  	[sflag:s24] =	ssyncset.done $0x0  }
0x41: {  	s25 =	sshll.u32 s5, $0x7;
	[sflag:s24] =	ssyncadd.s32 $0xFFFFEC00  }
0x42: {  	[tilespmem:s25], [sflag:$0x9] =	stream.linear.gather [hbm4b:s16+s3], $0x28, $0x38;
	[tilespmem:$0x5200] =	vst v63  }
0x43: {  	_ =	swait.ge [sflag:s17], $0x28  }
0x44: {  	[sflag:s17] =	ssyncset.done $0x0  }
0x45: {  	s7 =	sor.u32 $0x100, s25;
	[sflag:s17] =	ssyncadd.s32 $0xFFFFFFD8  }
0x46: {  	[tilespmem:s7], [sflag:$0x9] =	stream.linear.gather [hbm4b:s4+s3], $0x28, $0x38;
	[tilespmem:$0x5200] =	vst v63  }
0x47: {  	s8 =	smul.u32 $0x1400, s5;
	_ =	swait.ge [sflag:s17], $0x28  }
0x48: {  	s10 =	sxor.u32 $0x1, s5;
	[sflag:s17] =	ssyncset.done $0x0  }
0x49: {  	s9 =	sor.u32 $0x200, s8;
	s11 =	sadd.s32 $0x1, s5;
	[sflag:s17] =	ssyncadd.s32 $0xFFFFFFD8  }
0x4a: {  	[tilespmem:s9], [sflag:s11] =	stream.indirect.gather [hbm4b:s1+s19], $0x80, s25, s19, $0xb8;
	[tilespmem:$0x5200] =	vst v63  }
0x4b: {  	s5 =	sadd.s32 $0x3, s5;
	s9 =	sadd.s32 $0x2A00, s8;
	s11 =	sadd.s32 $0x1, s10  }
0x4c: {  	[tilespmem:s9], [sflag:s5] =	stream.indirect.gather [hbm4b:s1+s19], $0x80, s7, s19, $0xb8;
	[tilespmem:$0x5200] =	vst v63  }
0x4d: {  	s18 =	sadd.s32 $0x0, s13;
	_ =	swait.ge [sflag:s11], $0x1400  }
0x4e: {  	s12 =	sadd.s32 $0x3, s10;
	s15 =	smul.u32 $0x1400, s10;
	[sflag:s11] =	ssyncset.done $0x0  }
0x4f: {  	s22 =	sadd.s32 $0x5, s10;
	s24 =	simm.s32 $0x280;
	[sflag:s11] =	ssyncadd.s32 $0xFFFFEC00  }
0x50: {  	s25 =	sor.u32 $0x200, s15;
	s10 =	sadd.s32 $0x7, s10;
	_ =	swait.ge [sflag:s12], $0x1400  }
0x51: {  	s5 =	simm.s32 $0x500;
	s7 =	simm.s32 $0x3;
	[sflag:s12] =	ssyncset.done $0x0  }
0x52: {  	s9 =	sadd.s32 $0x0, s14;
	s6 =	sand.u32 $0x1, s7;
	[sflag:s12] =	ssyncadd.s32 $0xFFFFEC00  }
0x53: {  	[hbm4b:s18+s3] =	stream.linear.scatter [tilespmem:s25], [sflag:s22], $0x1400, $0x38;
	[tilespmem:$0x5200] =	vst v63  }
0x54: {  	s11 =	sadd.s32 $0x2A00, s15;
	s15 =	smov.u32 s4;
	s25 =	sadd.s32 $0x5, s16  }
.LBB2_2:
0x55: {  	s8 =	sxor.u32 $0x1, s6;
	s12 =	sadd.s32 $0x5, s6  }
0x56: {  	s15 =	sadd.s32 $0x5, s15;
	s18 =	smov.u32 s24;
	s24 =	smov.u32 s5  }
0x57: {  	[hbm4b:s9+s3] =	stream.linear.scatter [tilespmem:s11], [sflag:s10], $0x1400, $0x38;
	[tilespmem:$0x5200] =	vst v63  }
0x58: {  	p0 =	sne.s32 s5, $0x13100;
	s5 =	sadd.s32 $0x280, s5;
	_ =	swait.ge [sflag:s12], $0x1400  }
0x59: {  	[sflag:s12] =	ssyncset.done $0x0  }
0x5a: {  	s9 =	sadd.s32 $0x7, s6;
	[sflag:s12] =	ssyncadd.s32 $0xFFFFEC00  }
0x5b: {  	_ =	swait.ge [sflag:s9], $0x1400  }
0x5c: {  	[sflag:s9] =	ssyncset.done $0x0  }
0x5d: {  	[sflag:s9] =	ssyncadd.s32 $0xFFFFEC00;
	s9 =	sshll.u32 s6, $0x7  }
0x5e: {  	[tilespmem:s9], [sflag:$0x9] =	stream.linear.gather [hbm4b:s25+s3], $0x28, $0x38;
	[tilespmem:$0x5200] =	vst v63  }
0x5f: {  	_ =	swait.ge [sflag:s17], $0x28  }
0x60: {  	[sflag:s17] =	ssyncset.done $0x0  }
0x61: {  	s10 =	sor.u32 $0x100, s9;
	[sflag:s17] =	ssyncadd.s32 $0xFFFFFFD8  }
0x62: {  	[tilespmem:s10], [sflag:$0x9] =	stream.linear.gather [hbm4b:s15+s3], $0x28, $0x38;
	[tilespmem:$0x5200] =	vst v63  }
0x63: {  	s11 =	smul.u32 $0x1400, s6;
	_ =	swait.ge [sflag:s17], $0x28  }
0x64: {  	[sflag:s17] =	ssyncset.done $0x0  }
0x65: {  	s22 =	sadd.s32 $0x1, s6;
	s12 =	sor.u32 $0x200, s11;
	[sflag:s17] =	ssyncadd.s32 $0xFFFFFFD8  }
0x66: {  	[tilespmem:s12], [sflag:s22] =	stream.indirect.gather [hbm4b:s1+s19], $0x80, s9, s19, $0xb8;
	[tilespmem:$0x5200] =	vst v63  }
0x67: {  	s6 =	sadd.s32 $0x3, s6;
	s9 =	sadd.s32 $0x2A00, s11;
	s11 =	sadd.s32 $0x1, s8  }
0x68: {  	[tilespmem:s9], [sflag:s6] =	stream.indirect.gather [hbm4b:s1+s19], $0x80, s10, s19, $0xb8;
	[tilespmem:$0x5200] =	vst v63  }
0x69: {  	s25 =	sadd.s32 $0x5, s25;
	s9 =	sadd.s32 s18, s14;
	_ =	swait.ge [sflag:s11], $0x1400  }
0x6a: {  	s12 =	smul.u32 $0x1400, s8;
	s18 =	sadd.s32 s18, s13;
	[sflag:s11] =	ssyncset.done $0x0  }
.Ltmp0:
0x6b: {  	s22 =	sadd.s32 $0x3, s8;
	[sflag:s11] =	ssyncadd.s32 $0xFFFFEC00;
	(pc) =	sbr.rel @p0 .LBB2_2-.Ltmp0, $4  }
0x6c: {  	s7 =	sadd.s32 $0x1, s7;
	s10 =	sadd.s32 $0x7, s8;
	_ =	swait.ge [sflag:s22], $0x1400  }
0x6d: {  	s8 =	sadd.s32 $0x5, s8;
	s11 =	sadd.s32 $0x2A00, s12;
	[sflag:s22] =	ssyncset.done $0x0  }
0x6e: {  	s6 =	sand.u32 $0x1, s7;
	s12 =	sor.u32 $0x200, s12;
	[sflag:s22] =	ssyncadd.s32 $0xFFFFEC00  }
0x6f: {  	[hbm4b:s18+s3] =	stream.linear.scatter [tilespmem:s12], [sflag:s8], $0x1400, $0x38;
	[tilespmem:$0x5200] =	vst v63  }
0x70: {  	[hbm4b:s9+s3] =	stream.linear.scatter [tilespmem:s11], [sflag:s10], $0x1400, $0x38;
	[tilespmem:$0x5200] =	vst v63  }
0x71: {  	s5 =	sadd.s32 $0x5, s6  }
0x72: {  	_ =	swait.ge [sflag:s5], $0x1400  }
0x73: {  	[sflag:s5] =	ssyncset.done $0x0  }
0x74: {  	s10 =	sadd.s32 $0x7, s6;
	[sflag:s5] =	ssyncadd.s32 $0xFFFFEC00  }
0x75: {  	_ =	swait.ge [sflag:s10], $0x1400  }
0x76: {  	[sflag:s10] =	ssyncset.done $0x0  }
0x77: {  	s11 =	sshll.u32 s6, $0x7;
	[sflag:s10] =	ssyncadd.s32 $0xFFFFEC00  }
0x78: {  	[tilespmem:s11], [sflag:$0x9] =	stream.linear.gather [hbm4b:s25+s3], $0x28, $0x38;
	[tilespmem:$0x5200] =	vst v63  }
0x79: {  	_ =	swait.ge [sflag:s17], $0x28  }
0x7a: {  	[sflag:s17] =	ssyncset.done $0x0  }
0x7b: {  	s7 =	sadd.s32 $0x5, s15;
	s8 =	sor.u32 $0x100, s11;
	[sflag:s17] =	ssyncadd.s32 $0xFFFFFFD8  }
0x7c: {  	[tilespmem:s8], [sflag:$0x9] =	stream.linear.gather [hbm4b:s7+s3], $0x28, $0x38;
	[tilespmem:$0x5200] =	vst v63  }
0x7d: {  	s12 =	smul.u32 $0x1400, s6;
	_ =	swait.ge [sflag:s17], $0x28  }
0x7e: {  	s18 =	sadd.s32 $0x1, s6;
	[sflag:s17] =	ssyncset.done $0x0  }
0x7f: {  	s15 =	sor.u32 $0x200, s12;
	s5 =	sxor.u32 $0x1, s6;
	[sflag:s17] =	ssyncadd.s32 $0xFFFFFFD8  }
0x80: {  	[tilespmem:s15], [sflag:s18] =	stream.indirect.gather [hbm4b:s1+s19], $0x80, s11, s19, $0xb8;
	[tilespmem:$0x5200] =	vst v63  }
0x81: {  	s22 =	sadd.s32 $0x3, s6;
	s25 =	sadd.s32 $0x1, s5;
	s7 =	sadd.s32 $0x2A00, s12  }
0x82: {  	[tilespmem:s7], [sflag:s22] =	stream.indirect.gather [hbm4b:s1+s19], $0x80, s8, s19, $0xb8;
	[tilespmem:$0x5200] =	vst v63  }
0x83: {  	_ =	swait.ge [sflag:s25], $0x1400  }
0x84: {  	[sflag:s25] =	ssyncset.done $0x0  }
0x85: {  	s9 =	sadd.s32 $0x3, s5;
	[sflag:s25] =	ssyncadd.s32 $0xFFFFEC00  }
0x86: {  	s10 =	smul.u32 $0x1400, s5;
	_ =	swait.ge [sflag:s9], $0x1400  }
0x87: {  	s12 =	sadd.s32 $0x5, s5;
	[sflag:s9] =	ssyncset.done $0x0  }
0x88: {  	s11 =	sadd.s32 s24, s13;
	s15 =	sor.u32 $0x200, s10;
	[sflag:s9] =	ssyncadd.s32 $0xFFFFEC00  }
0x89: {  	[hbm4b:s11+s3] =	stream.linear.scatter [tilespmem:s15], [sflag:s12], $0x1400, $0x38;
	[tilespmem:$0x5200] =	vst v63  }
0x8a: {  	s5 =	sadd.s32 $0x7, s5;
	s18 =	sadd.s32 s24, s14;
	s7 =	sadd.s32 $0x2A00, s10  }
0x8b: {  	[hbm4b:s18+s3] =	stream.linear.scatter [tilespmem:s7], [sflag:s5], $0x1400, $0x38;
	[tilespmem:$0x5200] =	vst v63  }
0x8c: {  	_ =	swait.ge [sflag:s26], $0x1400  }
0x8d: {  	[sflag:s26] =	ssyncset.done $0x0  }
0x8e: {  	[sflag:s26] =	ssyncadd.s32 $0xFFFFEC00  }
0x8f: {  	_ =	swait.ge [sflag:s28], $0x1400  }
0x90: {  	[sflag:s28] =	ssyncset.done $0x0  }
0x91: {  	s22 =	rddreg [dreg:$0xb];
	[sflag:s28] =	ssyncadd.s32 $0xFFFFEC00  }
0x92: {  	[hbm4b:s22+s3] =	stream.linear.scatter [tilespmem:s20], [sflag:$0x5], $0x1400, $0x38;
	[tilespmem:$0x5200] =	vst v63  }
0x93: {  	s24 =	rddreg [dreg:$0xc]  }
0x94: {  	[hbm4b:s24+s3] =	stream.linear.scatter [tilespmem:s21], [sflag:$0x7], $0x1400, $0x38;
	[tilespmem:$0x5200] =	vst v63  }
0x95: {  	_ =	swait.ge [sflag:s29], $0x1400  }
0x96: {  	[sflag:s29] =	ssyncset.done $0x0  }
0x97: {  	[sflag:s29] =	ssyncadd.s32 $0xFFFFEC00  }
0x98: {  	_ =	swait.ge [sflag:s30], $0x1400  }
0x99: {  	[sflag:s30] =	ssyncset.done $0x0  }
0x9a: {  	[sflag:s30] =	ssyncadd.s32 $0xFFFFEC00  }
0x9b: {  	_ =	swait.ge [sflag:s31], $0x1400  }
0x9c: {  	[sflag:s31] =	ssyncset.done $0x0  }
0x9d: {  	[sflag:s31] =	ssyncadd.s32 $0xFFFFEC00  }
0x9e: {  	_ =	swait.ge [sflag:s0], $0x1400  }
0x9f: {  	s2 =	sadd.s32 $0x1, s2;
	s25 =	rddreg [dreg:$0xd]  }
0xa0: {  	p0 =	sne.s32 s2, s25  }
.Ltmp1:
0xa1: {  	_ = 	snop;
	(pc) =	sbr.rel @p0 .LBB2_1-.Ltmp1, $3  }
0xa2: {  	_ =	sdelay $0x1  }
0xa3: {  	[sflag:s0] =	ssyncset.done $0x0  }
0xa4: {  	[sflag:s0] =	ssyncadd.s32 $0xFFFFEC00  }
0xa5: {  	_ =	sfence.sel $0x180000  }
0xa6: {  	[bflag:$0x0] =	sbarrier.arrive $0xFFFF  }
0xa7: {  	_ =	strace $0x90000047  }
0xa8: {  	s0 =	stileid.u32;
	[bflag:$0x2] =	sbarrier.arrive $0xFFFF  }
0xa9: {  	p0 =	sne.s32 s0, $0x0;
	s0 =	rddreg [dreg:$0x4]  }
0xaa: {  	s0 =	sadd.s32 @!p0 $0x100000, s0  }
0xab: {  	[sflag:s0] =	ssyncadd.tile.s32 @!p0 $0x1;
	_ =	shalt  }
.Lfunc_end2:
_tile_overlayer_lowered:
.L_overlay_start_2:
0xac: {  	(tag) =	ssettag $0x2  }
0xad: {  	s0 =	rddreg [dreg:$0x0];
	s2 =	stileid.u32  }
0xae: {  	s1 =	rddreg [dreg:$0x1];
	p0 =	sne.s32 s2, $0x0  }
0xaf: {  	s3 =	rddreg [dreg:$0x2];
	[bflag:$0x3] =	sbarrier.arrive $0xFFFF;
	s2 =	simm.s32 @!p0 $0x1C09  }
0xb0: {  	[timem:s3], [sflag:s2] =	dma.local @!p0 [hbm:s0], s1  }
0xb1: {  	s0 =	simm.s32 @!p0 $0x9  }
0xb2: {  	_ =	swait.ge @!p0 [sflag:s0], s1  }
0xb3: {  	s1 =	ssub.s32 @!p0 $0x0, s1;
	[sflag:s0] =	ssyncset.done @!p0 $0x0  }
0xb4: {  	[sflag:s0] =	ssyncadd.s32 @!p0 s1  }
0xb5: {  	[bflag:$0x3] =	sbarrier.arrive $0xFFFF  }
0xb6: {  	_ =	shalt  }

// kernel: kernel.9.cloned.1.call-start
scs
__scs_entry_jumppad:
0x0: {  	(pc) =	sbr.rel $0x88, $3  }
0x1: {  	(tag) =	ssettag $0x0;
	lr =	simm.s32 $0x1  }
0x2: {  	[smem:$0x3F8D] =	sst lr;
	_ =	strace $0xD0000000  }
0x3: {  	_ = 	snop  }
0x4: {  	_ = 	snop  }
0x5: {  	_ = 	snop  }
0x6: {  	_ = 	snop  }
0x7: {  	_ = 	snop  }
__scs_overlays_trampoline_lowered:
0x8: {  	[smem:$0x3F9C] =	sst s0  }
0x9: {  	[smem:$0x3F9D] =	sst s1  }
0xa: {  	[smem:$0x3F9E] =	sst s2  }
0xb: {  	[smem:$0x3F9F] =	sst s3  }
0xc: {  	[smem:$0x3FA0] =	sst s4  }
0xd: {  	[smem:$0x3FA1] =	sst s5  }
0xe: {  	[smem:$0x3FA2] =	sst s6  }
0xf: {  	[smem:$0x3FA3] =	sst s7  }
0x10: {  	[smem:$0x3FA4] =	sst s8  }
0x11: {  	[smem:$0x3FA5] =	sst s9;
	s0 =	simm.s32 @!p0 $0x0  }
0x12: {  	s1 =	sld [smem:$0x3F8B];
	s0 =	simm.s32 @p0 $0x1  }
0x13: {  	[smem:$0x3FA6] =	sst s0;
	s0 =	simm.s32 @!p1 $0x0  }
0x14: {  	s2 =	sld [smem:$0x3F8A];
	s0 =	simm.s32 @p1 $0x1  }
0x15: {  	[smem:$0x3FA7] =	sst s0;
	s0 =	simm.s32 @!p2 $0x0  }
0x16: {  	s3 =	sld [smem:$0x3FDB];
	s0 =	simm.s32 @p2 $0x1  }
0x17: {  	s4 =	simm.s32 $0x1BF5;
	[smem:$0x3FA9] =	sst s0  }
0x18: {  	s0 =	sld [smem:$0x3F8C];
	_ =	swait.ge [sflag:s4], $0x0  }
0x19: {  	s7 =	sld [smem:$0x3F8D]  }
0x1a: {  	s8 =	sadd.s32 $0xFFFFE003, lr  }
0x1b: {  	s9 =	sadd.s32 $0xFFFFFEF7, lr;
	s5 =	simm.s32 $0xFFFFFFFF;
	p2 =	slt.u32 s8, $0xFFFFF086  }
0x1c: {  	p1 =	slt.u32 s9, $0xF7A;
	s5 =	simm.s32 @!p2 $0x0  }
0x1d: {  	s5 =	simm.s32 @p1 $0x1;
	p0 =	seq.s32 s7, s2  }
0x1e: {  	s7 =	smul.u32 @!p0 $0xF7A, s2;
	p2 =	seq.s32 @!p0 s5, $0x0  }
0x1f: {  	s9 =	smul.u32 $0xF7A, s1;
	s8 =	simm.s32 @!p0 $0x1BF5;
	p2 =	por !p2, p0  }
0x20: {  	[sflag:s8] =	ssyncset.s32 @!p0 $0xFFFFF086;
	s6 =	sadd.s32 @!p0 s3, s7;
	s7 =	simm.s32 @!p0 $0x108  }
0x21: {  	s3 =	sadd.s32 s3, s9;
	s6 =	sadd.s32 @!p0 $0x88, s6;
	s7 =	simm.s32 @p2 $0x1082  }
0x22: {  	[simem:s7], [sflag:s8] =	dma.local @!p0 [hbm:s6], $0xF7A  }
0x23: {  	s9 =	sor.u32 $0xD0000000, s2;
	s6 =	simm.s32 $0x108;
	_ =	swait.ge @!p0 [sflag:s8], $0x0  }
0x24: {  	s3 =	sadd.s32 $0x88, s3;
	s6 =	simm.s32 @!p1 $0x1082;
	[sflag:s4] =	ssyncset.s32 $0xFFFFF086  }
0x25: {  	[simem:s6], [sflag:s4] =	dma.local [hbm:s3], $0xF7A  }
0x26: {  	[smem:$0x3F8D] =	sst s1;
	(tag) =	ssettag s2;
	_ =	strace s9  }
0x27: {  	s1 =	sld [smem:$0x3F9D]  }
0x28: {  	s2 =	sld [smem:$0x3F9E]  }
0x29: {  	s4 =	sld [smem:$0x3FA0]  }
0x2a: {  	p0 =	seq.s32 s5, $0x0;
	s5 =	sld [smem:$0x3FA1]  }
0x2b: {  	s6 =	sld [smem:$0x3FA2]  }
0x2c: {  	s7 =	sld [smem:$0x3FA3]  }
0x2d: {  	s3 =	simm.s32 $0x108;
	s8 =	sld [smem:$0x3FA4]  }
0x2e: {  	s3 =	simm.s32 @!p0 $0x1082;
	s9 =	sld [smem:$0x3FA5]  }
0x2f: {  	lr =	sadd.s32 s0, s3;
	s0 =	sld [smem:$0x3F9C]  }
0x30: {  	s3 =	sld [smem:$0x3F9F]  }
0x31: {  	[smem:$0x3FA8] =	sst s10  }
0x32: {  	s10 =	sld [smem:$0x3FA6];
	_ =	sdelay $0x3  }
0x33: {  	p0 =	seq.s32 s10, $0x1;
	s10 =	sld [smem:$0x3FA8];
	_ =	sdelay $0x3  }
0x34: {  	[smem:$0x3FA8] =	sst s10  }
0x35: {  	s10 =	sld [smem:$0x3FA7];
	_ =	sdelay $0x3  }
0x36: {  	p1 =	seq.s32 s10, $0x1;
	s10 =	sld [smem:$0x3FA8];
	_ =	sdelay $0x3  }
0x37: {  	[smem:$0x3FA8] =	sst s10  }
0x38: {  	s10 =	sld [smem:$0x3FA9]  }
0x39: {  	_ = 	snop;
	(pc) =	sbr.ind lr, $3  }
0x3a: {  	_ = 	snop  }
0x3b: {  	_ = 	snop  }
0x3c: {  	p2 =	seq.s32 s10, $0x1;
	s10 =	sld [smem:$0x3FA8]  }
0x3d: {  	_ =	shalt  }
0x3e: {  	_ =	shalt  }
0x3f: {  	_ =	shalt  }
0x40: {  	_ =	shalt  }
0x41: {  	_ =	shalt  }
0x42: {  	_ =	shalt  }
0x43: {  	_ =	shalt  }
0x44: {  	_ =	shalt  }
0x45: {  	_ =	shalt  }
0x46: {  	_ =	shalt  }
0x47: {  	_ =	shalt  }
0x48: {  	_ =	shalt  }
0x49: {  	_ =	shalt  }
0x4a: {  	_ =	shalt  }
0x4b: {  	_ =	shalt  }
0x4c: {  	_ =	shalt  }
0x4d: {  	_ =	shalt  }
0x4e: {  	_ =	shalt  }
0x4f: {  	_ =	shalt  }
0x50: {  	_ =	shalt  }
0x51: {  	_ =	shalt  }
0x52: {  	_ =	shalt  }
0x53: {  	_ =	shalt  }
0x54: {  	_ =	shalt  }
0x55: {  	_ =	shalt  }
0x56: {  	_ =	shalt  }
0x57: {  	_ =	shalt  }
0x58: {  	_ =	shalt  }
0x59: {  	_ =	shalt  }
0x5a: {  	_ =	shalt  }
0x5b: {  	_ =	shalt  }
0x5c: {  	_ =	shalt  }
0x5d: {  	_ =	shalt  }
0x5e: {  	_ =	shalt  }
0x5f: {  	_ =	shalt  }
0x60: {  	_ =	shalt  }
0x61: {  	_ =	shalt  }
0x62: {  	_ =	shalt  }
0x63: {  	_ =	shalt  }
0x64: {  	_ =	shalt  }
0x65: {  	_ =	shalt  }
0x66: {  	_ =	shalt  }
0x67: {  	_ =	shalt  }
0x68: {  	_ =	shalt  }
0x69: {  	_ =	shalt  }
0x6a: {  	_ =	shalt  }
0x6b: {  	_ =	shalt  }
0x6c: {  	_ =	shalt  }
0x6d: {  	_ =	shalt  }
0x6e: {  	_ =	shalt  }
0x6f: {  	_ =	shalt  }
0x70: {  	_ =	shalt  }
0x71: {  	_ =	shalt  }
0x72: {  	_ =	shalt  }
0x73: {  	_ =	shalt  }
0x74: {  	_ =	shalt  }
0x75: {  	_ =	shalt  }
0x76: {  	_ =	shalt  }
0x77: {  	_ =	shalt  }
0x78: {  	_ =	shalt  }
0x79: {  	_ =	shalt  }
0x7a: {  	_ =	shalt  }
0x7b: {  	_ =	shalt  }
0x7c: {  	_ =	shalt  }
0x7d: {  	_ =	shalt  }
0x7e: {  	_ =	shalt  }
0x7f: {  	_ =	shalt  }
0x80: {  	_ =	shalt  }
0x81: {  	_ =	shalt  }
0x82: {  	_ =	shalt  }
0x83: {  	_ =	shalt  }
0x84: {  	_ =	shalt  }
0x85: {  	_ =	shalt  }
0x86: {  	_ =	shalt  }
0x87: {  	_ =	shalt  }
.Lfunc_end0:
.L_simem_size_0:
called_computation.1_lowered:
.L_overlay_start_0:
0x88: {  	s2 =	sld [smem:$0x3FD9]  }
0x89: {  	s3 =	sld [smem:$0x3FFE];
	_ =	sdelay $0x1  }
0x8a: {  	s1 =	srdreg.scid  }
0x8b: {  	s0 =	sand.u32 $0x1, s1  }
0x8c: {  	s14 =	sshll.u32 s0, $0xA;
	s2 =	sadd.s32 s3, s2  }
0x8d: {  	s2 =	sadd.s32 s2, s14  }
0x8e: {  	[smem:$0x3FB4] =	sst s2  }
0x8f: {  	_ = 	snop  }
0x90: {  	s2 =	sld [smem:$0x3FD0];
	_ =	sdelay $0x2  }
0x91: {  	s4 =	simm.s32 $0xA;
	s5 =	simm.s32 $0x10;
	s15 =	sld [smem:$0x3FC6]  }
0x92: {  	[smem:s5], [sflag:s4] =	dma.local [hbm:s2], $0x1  }
0x93: {  	_ =	swait.eq [sflag:s4], $0x1  }
0x94: {  	[sflag:s4] =	ssyncset.done $0x0  }
0x95: {  	[sflag:s4] =	ssyncadd.s32 $0xFFFFFFFF  }
0x96: {  	s16 =	sld [smem:$0x10];
	(tm) =	ssettm $0x1  }
0x97: {  	s17 =	sld [smem:$0x3FFB];
	_ =	sdelay $0x3  }
0x98: {  	_ =	strace s17  }
0x99: {  	s4 =	sld [smem:$0x3FFC];
	_ =	sdelay $0x3  }
0x9a: {  	_ =	strace s4  }
0x9b: {  	s4 =	sld [smem:$0x3FFD];
	_ =	sdelay $0x3  }
0x9c: {  	_ =	strace s4  }
0x9d: {  	_ =	strace $0x8FFFFFFF  }
0x9e: {  	s18 =	sld [smem:$0x3FDB];
	_ =	sdelay $0x1  }
0x9f: {  	s19 =	simm.s32 $_scs_section_size  }
0xa0: {  	s6 =	simm.s32 $_size__tile_overlayer_lowered;
	s7 =	simm.s32 $_tile_overlayer_lowered  }
0xa1: {  	s22 =	simm.s32 $0x1BFF;
	s21 =	sshll.u32 s7, $0x1;
	s4 =	sadd.s32 s19, s18  }
0xa2: {  	s8 =	simm.s32 $0x0;
	s20 =	sshll.u32 s6, $0x1;
	s6 =	sadd.s32 s21, s4  }
0xa3: {  	[timem:s8], [sflag:s22] =	dma.local [hbm:s6], s20  }
0xa4: {  	_ =	swait.ge [sflag:s22], s20  }
0xa5: {  	s5 =	ssub.s32 $0x0, s20;
	[sflag:s22] =	ssyncset.done $0x0  }
0xa6: {  	[sflag:s22] =	ssyncadd.s32 s5;
	_ =	sdelay $0x1  }
0xa7: {  	s23 =	simm.s32 $0x1B8B  }
0xa8: {  	_ =	swait.ge [sflag:s23], $0x1  }
0xa9: {  	[sflag:s23] =	ssyncset.done $0x0  }
0xaa: {  	s25 =	simm.s32 $0x1B8E;
	s24 =	sld [smem:$0x3FFE];
	[sflag:s23] =	ssyncadd.s32 $0xFFFFFFFF  }
0xab: {  	s26 =	simm.s32 $execute0_lowered;
	[smem:$0x3FD2] =	sst s25  }
0xac: {  	s6 =	sshll.u32 s26, $0x1;
	_ =	strace $0x80000049;
	[dreg:$0x1] =	wrdreg $0xFFFFFFFF  }
0xad: {  	s28 =	simm.s32 $_size_execute0_lowered;
	s4 =	sadd.s32 s4, s6;
	[dreg:$0x0] =	wrdreg $0x0  }
0xae: {  	s6 =	sshll.u32 s28, $0x1;
	[dreg:$0x2] =	wrdreg s4  }
0xaf: {  	[dreg:$0x3] =	wrdreg s6  }
0xb0: {  	[dreg:$0x4] =	wrdreg $0xC0  }
0xb1: {  	_ =	task [dreg:s8], $0x5FFFF  }
0xb2: {  	[dreg:$0x1] =	wrdreg $0xFFFFFFFF  }
0xb3: {  	[dreg:$0x0] =	wrdreg $0x60  }
0xb4: {  	[dreg:$0x2] =	wrdreg s24  }
0xb5: {  	[dreg:$0x3] =	wrdreg s15  }
0xb6: {  	[dreg:$0x4] =	wrdreg s16  }
0xb7: {  	[dreg:$0x5] =	wrdreg $0x51000  }
0xb8: {  	[dreg:$0x6] =	wrdreg $0x9  }
0xb9: {  	_ =	task.clear_ibuf [dreg:s8], $0x7FFFF;
	_ =	strace $0x90000049  }
0xba: {  	s29 =	simm.s32 $0x9;
	_ =	strace $0x8000004B  }
0xbb: {  	_ =	swait.ge [sflag:s29], $0x1  }
0xbc: {  	[sflag:s29] =	ssyncadd.s32 $0xFFFFFFFF  }
0xbd: {  	_ =	strace $0x9000004B  }
0xbe: {  	_ =	sfence  }
0xbf: {  	s30 =	sld [smem:$0x0];
	_ =	sdelay $0x2  }
0xc0: {  	s31 =	sshll.u32 s1, $0xD;
	s1 =	sshrl.u32 s1, $0x2  }
0xc1: {  	s3 =	sand.u32 $0x4000, s31;
	s1 =	sadd.s32 s1, s30  }
0xc2: {  	s0 =	sor.u32 s3, s0;
	s1 =	sshll.u32 s1, $0x11  }
0xc3: {  	s0 =	sor.u32 s1, s0  }
0xc4: {  	s0 =	sadd.s32 $0x8F2B, s0  }
0xc5: {  	[sflag:s0] =	ssyncadd.remote.s32 $0x1  }
0xc6: {  	_ =	sfence.sel $0xFFFF  }
0xc7: {  	[dreg:$0x0] =	wrdreg $0xFFFFFFFF;
	(pc) =	sbr.abs _section_cstart, $3  }
0xc8: {  	[dreg:$0x1] =	wrdreg $0xFFFFFFFF  }
0xc9: {  	_ =	task.clear_ibuf [dreg:s8], $0x2FFFF;
	_ =	strace $0x9FFFFFFF  }
0xca: {  	(tm) =	ssettm $0x7FFFFFFF  }
0xcb: {  	_ =	shalt  }
tec
execute0_lowered:
.L_overlay_start_1:
0x0: {  	(tag) =	ssettag $0x1  }
0x1: {  	s0 =	rddreg [dreg:$0x0]  }
0x2: {  	s2 =	rddreg [dreg:$0x1]  }
0x3: {  	s4 =	rddreg [dreg:$0x2];
	s22 =	stileid.u32  }
0x4: {  	s1 =	rddreg [dreg:$0x3];
	s3 =	simm.s32 $0x0;
	s8 =	smul.u32 $0x50000, s22  }
0x5: {  	s5 =	srdreg.scid;
	s28 =	simm.s32 $0x3;
	s9 =	smul.u32 $0x2710, s22  }
0x6: {  	s29 =	simm.s32 $0x0;
	[smem:$0x7FF] =	sst s3;
	s17 =	smul.u32 $0x271000, s22  }
0x7: {  	s5 =	sand.u32 $0x1, s5;
	s7 =	sadd.s32 $0x4E5C00, s0;
	s13 =	smul.u32 $0x28000, s22  }
0x8: {  	s0 =	sadd.s32 $0x3C00, s0;
	s18 =	sshll.u32 s22, $0x6;
	s26 =	smul.u32 $0x4E2, s22  }
0x9: {  	p0 =	seq.s32 s22, $0xF;
	_ =	strace $0x8000004A;
	s6 =	ssub.s32 $0x2, s5  }
0xa: {  	[dreg:$0x5] =	wrdreg s0;
	s10 =	sshll.u32 s5, $0xA;
	s5 =	sshll.u32 s5, $0x7  }
0xb: {  	s15 =	sshrl.u32 s6, $0x1;
	s16 =	sshrl.u32 s8, $0x2;
	s11 =	sshrl.u32 s9, $0x3  }
0xc: {  	s8 =	sor.u32 s10, s17;
	s9 =	sadd.s32 $0x50, s9;
	s31 =	sadd.s32 s26, s2  }
0xd: {  	s17 =	simm.s32 $0x5;
	s26 =	simm.s32 $0x4;
	s0 =	ssub.s32 s6, s15  }
0xe: {  	s16 =	sadd.s32 s16, s1;
	s6 =	sor.u32 $0x1C05, s18;
	s12 =	sshrl.u32 s8, $0x3  }
0xf: {  	s11 =	sadd.s32 s2, s11;
	s20 =	sshll.u32 s9, $0x8;
	s9 =	sshrl.u32 s9, $0x3  }
0x10: {  	s25 =	sadd.s32 $0xA000, s8;
	s15 =	sadd.s32 $0x14, s31;
	s18 =	simm.s32 $0x400  }
0x11: {  	[dreg:$0x6] =	wrdreg s11;
	s19 =	sadd.s32 s7, s12;
	s11 =	sor.u32 s10, s20  }
0x12: {  	s10 =	sor.u32 s10, s13;
	s9 =	sadd.s32 s2, s9;
	s30 =	sshrl.u32 s25, $0x3  }
0x13: {  	s13 =	smax.u32 s0, $0x1;
	s12 =	smov.u32 s16;
	[dreg:$0x7] =	wrdreg s19  }
0x14: {  	s16 =	sshrl.u32 s16, $0x3;
	s20 =	simm.s32 $0x100;
	[dreg:$0x8] =	wrdreg s9  }
0x15: {  	s11 =	sshrl.u32 s11, $0x3;
	s21 =	sshrl.u32 s10, $0x3;
	s14 =	sadd.s32 s30, s7  }
0x16: {  	s19 =	simm.s32 $0x800;
	s23 =	sadd.s32 s7, s11;
	s24 =	sadd.s32 s4, s21  }
0x17: {  	s4 =	sadd.s32 s5, s4;
	s21 =	sadd.s32 $0x12C000, s1;
	[dreg:$0x9] =	wrdreg s23  }
0x18: {  	[dreg:$0xa] =	wrdreg s24;
	s4 =	sadd.s32 $0x4B000, s4;
	s23 =	simm.s32 $0x1  }
0x19: {  	s24 =	simm.s32 $0x50;
	s25 =	sshrl.u32 @p0 s21, $0x3;
	[dreg:$0xb] =	wrdreg s4  }
.LBB2_1:
0x1a: {  	s0 =	rddreg [dreg:$0x5]  }
0x1b: {  	[spmem:s16], [sflag:s6] =	dma.local [hbm:s0], $0x2800  }
0x1c: {  	_ =	swait.ge [sflag:s17], $0x2800  }
0x1d: {  	[sflag:s17] =	ssyncset.done $0x0  }
0x1e: {  	[sflag:s17] =	ssyncadd.s32 $0xFFFFD800  }
0x1f: {  	[bflag:$0x0] =	sbarrier.arrive $0xFFFF  }
0x20: {  	s5 =	rddreg [dreg:$0x6]  }
0x21: {  	[tilespmem:s3], [sflag:$0x5] =	stream.linear.gather [hbm4b:s5+s3], $0x50, $0x38;
	[tilespmem:$0x19100] =	vst v63  }
0x22: {  	_ =	swait.ge [sflag:s17], $0x50  }
0x23: {  	[sflag:s17] =	ssyncset.done $0x0  }
0x24: {  	s7 =	rddreg [dreg:$0x7];
	[sflag:s17] =	ssyncadd.s32 $0xFFFFFFB0  }
0x25: {  	[tilespmem:s20], [sflag:$0x1] =	stream.strided.gather [hbm4b:s7+s18], $0x2800, s19, s18, $0x38;
	[tilespmem:$0x19100] =	vst v63  }
0x26: {  	s2 =	simm.s32 $0x80;
	s8 =	rddreg [dreg:$0x8]  }
0x27: {  	[tilespmem:s2], [sflag:$0x5] =	stream.linear.gather [hbm4b:s8+s3], $0x50, $0x38;
	[tilespmem:$0x19100] =	vst v63  }
0x28: {  	_ =	swait.ge [sflag:s17], $0x50  }
0x29: {  	s10 =	simm.s32 $0x2900;
	[sflag:s17] =	ssyncset.done $0x0  }
0x2a: {  	s11 =	simm.s32 $0x2;
	s9 =	rddreg [dreg:$0x9];
	[sflag:s17] =	ssyncadd.s32 $0xFFFFFFB0  }
0x2b: {  	[tilespmem:s10], [sflag:$0x2] =	stream.strided.gather [hbm4b:s9+s18], $0x2800, s19, s18, $0x38;
	[tilespmem:$0x19100] =	vst v63  }
0x2c: {  	s0 =	sand.u32 $0x1, s11;
	s5 =	simm.s32 $0x3;
	_ =	swait.ge [sflag:s23], $0x2800  }
0x2d: {  	s21 =	smul.u32 $0xA000, s0;
	s31 =	sand.u32 $0x1, s5;
	[sflag:s23] =	ssyncset.done $0x0  }
0x2e: {  	s4 =	sadd.s32 $0x3, s0;
	s30 =	sxor.u32 $0x1, s31;
	[sflag:s23] =	ssyncadd.s32 $0xFFFFD800  }
0x2f: {  	[spmem:s1] =	stream.indirect.scatter.add.f32 [tilespmem:s20], [sflag:$0x3], $0x80, s3, s24, $0xb8;
	[tilespmem:$0x19100] =	vst v63  }
0x30: {  	s5 =	smul.u32 $0xA000, s31;
	s8 =	sxor.u32 $0x1, s0;
	_ =	swait.ge [sflag:s4], $0x2800  }
0x31: {  	s2 =	sshrl.u32 s21, $0x2;
	s21 =	smul.u32 $0xA000, s30;
	[sflag:s4] =	ssyncset.done $0x0  }
0x32: {  	s22 =	sshll.u32 s0, $0x7;
	s7 =	smul.u32 $0xA000, s8;
	[sflag:s4] =	ssyncadd.s32 $0xFFFFD800  }
0x33: {  	[tilespmem:s22], [sflag:$0x5] =	stream.linear.gather [hbm4b:s15+s3], $0x50, $0x38;
	[tilespmem:$0x19100] =	vst v63  }
0x34: {  	s0 =	sadd.s32 $0x1, s0;
	s2 =	sor.u32 $0x100, s2;
	_ =	swait.ge [sflag:s17], $0x50  }
0x35: {  	s7 =	sshrl.u32 s7, $0x2;
	s9 =	sadd.s32 $0x1, s8;
	[sflag:s17] =	ssyncset.done $0x0  }
0x36: {  	s7 =	sor.u32 $0x100, s7;
	s4 =	simm.s32 $0x4;
	[sflag:s17] =	ssyncadd.s32 $0xFFFFFFB0  }
0x37: {  	[tilespmem:s2], [sflag:s0] =	stream.strided.gather [hbm4b:s14+s18], $0x2800, s19, s18, $0x38;
	[tilespmem:$0x19100] =	vst v63  }
0x38: {  	s22 =	sshrl.u32 s5, $0x2;
	s5 =	sadd.s32 $0x3, s8;
	_ =	swait.ge [sflag:s9], $0x2800  }
0x39: {  	s8 =	sshll.u32 s8, $0x7;
	s0 =	sshrl.u32 s21, $0x2;
	[sflag:s9] =	ssyncset.done $0x0  }
0x3a: {  	s21 =	sadd.s32 $0xA, s15;
	s2 =	sadd.s32 $0xA00, s14;
	[sflag:s9] =	ssyncadd.s32 $0xFFFFD800  }
.LBB2_2:
0x3b: {  	[spmem:s1] =	stream.indirect.scatter.add.f32 [tilespmem:s7], [sflag:s5], $0x80, s8, s24, $0xb8;
	[tilespmem:$0x19100] =	vst v63  }
0x3c: {  	s5 =	smov.u32 s4  }
0x3d: {  	s8 =	smov.u32 s30;
	s7 =	smov.u32 s22;
	s9 =	sadd.s32 $0x1, s4  }
0x3e: {  	s10 =	sadd.s32 $0x3, s31;
	p1 =	sne.s32 s4, $0x7C;
	s5 =	sand.u32 $0x1, s5  }
0x3f: {  	s30 =	sxor.u32 $0x1, s5;
	s22 =	smul.u32 $0xA000, s5;
	_ =	swait.ge [sflag:s10], $0x2800  }
0x40: {  	s4 =	sshll.u32 s31, $0x7;
	s11 =	smul.u32 $0xA000, s30;
	[sflag:s10] =	ssyncset.done $0x0  }
0x41: {  	s7 =	sor.u32 $0x100, s7;
	s22 =	sshrl.u32 s22, $0x2;
	[sflag:s10] =	ssyncadd.s32 $0xFFFFD800  }
0x42: {  	[tilespmem:s4], [sflag:$0x5] =	stream.linear.gather [hbm4b:s21+s3], $0x50, $0x38;
	[tilespmem:$0x19100] =	vst v63  }
0x43: {  	s4 =	smov.u32 s0;
	s0 =	sshrl.u32 s11, $0x2;
	_ =	swait.ge [sflag:s17], $0x50  }
0x44: {  	s10 =	sadd.s32 $0x1, s31;
	s11 =	sadd.s32 $0x1, s8;
	[sflag:s17] =	ssyncset.done $0x0  }
.Ltmp0:
0x45: {  	s31 =	smov.u32 s5;
	[sflag:s17] =	ssyncadd.s32 $0xFFFFFFB0;
	(pc) =	sbr.rel @p1 .LBB2_2-.Ltmp0, $4  }
0x46: {  	[tilespmem:s7], [sflag:s10] =	stream.strided.gather [hbm4b:s2+s18], $0x2800, s19, s18, $0x38;
	[tilespmem:$0x19100] =	vst v63  }
0x47: {  	s5 =	sadd.s32 $0x3, s8;
	s21 =	sadd.s32 $0xA, s21;
	_ =	swait.ge [sflag:s11], $0x2800  }
0x48: {  	s8 =	sshll.u32 s8, $0x7;
	s2 =	sadd.s32 $0xA00, s2;
	[sflag:s11] =	ssyncset.done $0x0  }
0x49: {  	s7 =	sor.u32 $0x100, s4;
	s4 =	smov.u32 s9;
	[sflag:s11] =	ssyncadd.s32 $0xFFFFD800  }
0x4a: {  	[spmem:s1] =	stream.indirect.scatter.add.f32 [tilespmem:s7], [sflag:s5], $0x80, s8, s24, $0xb8;
	[tilespmem:$0x19100] =	vst v63  }
0x4b: {  	s4 =	sadd.s32 $0x3, s31  }
0x4c: {  	_ =	swait.ge [sflag:s4], $0x2800  }
0x4d: {  	[sflag:s4] =	ssyncset.done $0x0  }
0x4e: {  	s9 =	sshll.u32 s31, $0x7;
	[sflag:s4] =	ssyncadd.s32 $0xFFFFD800  }
0x4f: {  	[tilespmem:s9], [sflag:$0x5] =	stream.linear.gather [hbm4b:s21+s3], $0x50, $0x38;
	[tilespmem:$0x19100] =	vst v63  }
0x50: {  	_ =	swait.ge [sflag:s17], $0x50  }
0x51: {  	s10 =	sadd.s32 $0x1, s31;
	[sflag:s17] =	ssyncset.done $0x0  }
0x52: {  	s11 =	sadd.s32 $0x1, s30;
	s21 =	sor.u32 $0x100, s22;
	[sflag:s17] =	ssyncadd.s32 $0xFFFFFFB0  }
0x53: {  	[tilespmem:s21], [sflag:s10] =	stream.strided.gather [hbm4b:s2+s18], $0x2800, s19, s18, $0x38;
	[tilespmem:$0x19100] =	vst v63  }
0x54: {  	_ =	swait.ge [sflag:s11], $0x2800  }
0x55: {  	s0 =	sor.u32 $0x100, s0;
	[sflag:s11] =	ssyncset.done $0x0  }
0x56: {  	s31 =	sshll.u32 s30, $0x7;
	s22 =	sadd.s32 $0x3, s30;
	[sflag:s11] =	ssyncadd.s32 $0xFFFFD800  }
0x57: {  	[spmem:s1] =	stream.indirect.scatter.add.f32 [tilespmem:s0], [sflag:s22], $0x80, s31, s24, $0xb8;
	[tilespmem:$0x19100] =	vst v63  }
0x58: {  	_ =	swait.ge [sflag:s26], $0x2800  }
0x59: {  	[sflag:s26] =	ssyncset.done $0x0  }
0x5a: {  	[sflag:s26] =	ssyncadd.s32 $0xFFFFD800  }
0x5b: {  	_ =	swait.ge [sflag:s23], $0x2800  }
0x5c: {  	[sflag:s23] =	ssyncset.done $0x0  }
0x5d: {  	[sflag:s23] =	ssyncadd.s32 $0xFFFFD800  }
0x5e: {  	[spmem:s1] =	stream.indirect.scatter.add.f32 [tilespmem:s20], [sflag:$0x3], $0x80, s3, s24, $0xb8;
	[tilespmem:$0x19100] =	vst v63  }
0x5f: {  	_ =	swait.ge [sflag:s28], $0x2800  }
0x60: {  	[sflag:s28] =	ssyncset.done $0x0  }
0x61: {  	[sflag:s28] =	ssyncadd.s32 $0xFFFFD800  }
0x62: {  	s4 =	simm.s32 @p0 $0x80;
	[bflag:$0x0] =	sbarrier.arrive $0xFFFF  }
0x63: {  	s2 =	simm.s32 @p0 $0x100;
	s0 =	simm.s32 @p0 $0x8;
	s5 =	rddreg [dreg:$0xb]  }
0x64: {  	[hbm:s5@s2], [sflag:s6] =	dma.strided @p0 [spmem:s25@s4], $0x1900, s0, $0x10   }
0x65: {  	s29 =	sadd.s32 $0x1, s29;
	s0 =	simm.s32 @p0 $0x5  }
0x66: {  	p1 =	sne.s32 s29, s13;
	s2 =	simm.s32 @!p0 $0x8;
	_ =	swait.ge @p0 [sflag:s0], $0x1900  }
0x67: {  	s4 =	simm.s32 @!p0 $0x100;
	s5 =	simm.s32 @!p0 $0x80;
	[sflag:s0] =	ssyncset.done @p0 $0x0  }
0x68: {  	s7 =	rddreg [dreg:$0xa];
	[sflag:s0] =	ssyncadd.s32 @p0 $0xFFFFE700;
	s0 =	sshrl.u32 @!p0 s12, $0x3  }
0x69: {  	[hbm:s7@s4], [sflag:s6] =	dma.strided @!p0 [spmem:s0@s5], $0x2800, s2, $0x10   }
.Ltmp1:
0x6a: {  	_ = 	snop;
	(pc) =	sbr.rel @p1 .LBB2_1-.Ltmp1, $4  }
0x6b: {  	s0 =	simm.s32 @!p0 $0x5  }
0x6c: {  	_ =	swait.ge @!p0 [sflag:s0], $0x2800  }
0x6d: {  	[sflag:s0] =	ssyncset.done @!p0 $0x0  }
0x6e: {  	[sflag:s0] =	ssyncadd.s32 @!p0 $0xFFFFD800  }
0x6f: {  	_ =	sfence.sel $0x180000  }
0x70: {  	[bflag:$0x0] =	sbarrier.arrive $0xFFFF  }
0x71: {  	_ =	strace $0x9000004A  }
0x72: {  	s0 =	stileid.u32;
	[bflag:$0x2] =	sbarrier.arrive $0xFFFF  }
0x73: {  	p0 =	sne.s32 s0, $0x0;
	s0 =	rddreg [dreg:$0x4]  }
0x74: {  	s0 =	sadd.s32 @!p0 $0x100000, s0  }
0x75: {  	[sflag:s0] =	ssyncadd.tile.s32 @!p0 $0x1;
	_ =	shalt  }
.Lfunc_end2:
_tile_overlayer_lowered:
.L_overlay_start_2:
0x76: {  	(tag) =	ssettag $0x2  }
0x77: {  	s0 =	rddreg [dreg:$0x0];
	s2 =	stileid.u32  }
0x78: {  	s1 =	rddreg [dreg:$0x1];
	p0 =	sne.s32 s2, $0x0  }
0x79: {  	s3 =	rddreg [dreg:$0x2];
	[bflag:$0x3] =	sbarrier.arrive $0xFFFF;
	s2 =	simm.s32 @!p0 $0x1C05  }
0x7a: {  	[timem:s3], [sflag:s2] =	dma.local @!p0 [hbm:s0], s1  }
0x7b: {  	s0 =	simm.s32 @!p0 $0x5  }
0x7c: {  	_ =	swait.ge @!p0 [sflag:s0], s1  }
0x7d: {  	s1 =	ssub.s32 @!p0 $0x0, s1;
	[sflag:s0] =	ssyncset.done @!p0 $0x0  }
0x7e: {  	[sflag:s0] =	ssyncadd.s32 @!p0 s1  }
0x7f: {  	[bflag:$0x3] =	sbarrier.arrive $0xFFFF  }
0x80: {  	_ =	shalt  }

</sc_bundles>
